<compile_context>
chip_gen: v7x
topology: tpu7x:2x2x1
jax: 0.10.2.dev20260603
libtpu: 0.0.44.dev20260713+nightly
codegen_flags: <defaults>
</compile_context>

<pallas_src>
import functools

import jax
import jax.numpy as jnp
from jax import lax
from jax.experimental import pallas as pl
from jax.experimental.pallas import tpu as pltpu
from jax.experimental.pallas import tpu_sc as plsc

NUM_E3 = 12
E3_DIM = 64
HID = 32
BATCH = 16384

_NC = 1
_NS = 16
_L = 16
_NW = _NC * _NS
_BPW = BATCH // _NW

_GDN = lax.GatherDimensionNumbers(
    offset_dims=(), collapsed_slice_dims=(0,), start_index_map=(0,))


def _take16(vec, idx):
    return lax.gather(vec, idx.reshape(_L, 1), _GDN, (1,),
                      mode=lax.GatherScatterMode.PROMISE_IN_BOUNDS)


def _mlp_body(tab_ref, w1_ref, b1_ref, w2_ref, b2_ref, out_ref):
    t = tab_ref[...]
    w1 = w1_ref[...]
    h = jnp.maximum(
        jnp.dot(t, w1, preferred_element_type=jnp.float32) + b1_ref[...],
        0.0,
    )
    lg = lax.dot_general(w2_ref[...], h, (((1,), (1,)), ((), ())),
                         preferred_element_type=jnp.float32) + b2_ref[...]
    lg16 = jnp.pad(lg, ((0, 0), (0, _L - NUM_E3)))
    out_ref[...] = jnp.concatenate([lg16, jax.nn.sigmoid(lg16)], axis=1)


@functools.lru_cache(maxsize=None)
def _mlp_call():
    return pl.pallas_call(
        _mlp_body,
        out_shape=jax.ShapeDtypeStruct((1, 2 * _L), jnp.float32),
    )


@functools.lru_cache(maxsize=None)
def _gather_call():
    mesh = plsc.VectorSubcoreMesh(core_axis_name="c", subcore_axis_name="s",
                                  num_cores=_NC)

    @functools.partial(
        pl.kernel,
        mesh=mesh,
        out_type=[
            jax.ShapeDtypeStruct((BATCH,), jnp.float32),
            jax.ShapeDtypeStruct((BATCH,), jnp.float32),
        ],
        scratch_types=[
            pltpu.VMEM((_BPW,), jnp.int32),
            pltpu.VMEM((2 * _L,), jnp.float32),
            pltpu.VMEM((_BPW,), jnp.float32),
            pltpu.VMEM((_BPW,), jnp.float32),
            pltpu.SemaphoreType.DMA,
            pltpu.SemaphoreType.DMA,
            pltpu.SemaphoreType.DMA,
        ],
    )
    def sc_gather(idx_hbm, tlts_hbm, out_l_hbm, out_s_hbm,
                  idx_v, tlts_v, ol_v, os_v, sem_i, sem_l, sem_s):
        wid = lax.axis_index("s") * _NC + lax.axis_index("c")
        base = wid * _BPW
        idx_cp = pltpu.async_copy(idx_hbm.at[pl.ds(base, _BPW)], idx_v, sem_i)
        pltpu.sync_copy(tlts_hbm, tlts_v)
        tl = tlts_v[pl.ds(0, _L)]
        ts = tlts_v[pl.ds(_L, _L)]
        idx_cp.wait()
        for i in range(_BPW // _L):
            iv = idx_v[pl.ds(i * _L, _L)]
            ol_v[pl.ds(i * _L, _L)] = _take16(tl, iv)
        l_cp = pltpu.async_copy(ol_v, out_l_hbm.at[pl.ds(base, _BPW)], sem_l)
        for i in range(_BPW // _L):
            iv = idx_v[pl.ds(i * _L, _L)]
            os_v[pl.ds(i * _L, _L)] = _take16(ts, iv)
        s_cp = pltpu.async_copy(os_v, out_s_hbm.at[pl.ds(base, _BPW)], sem_s)
        l_cp.wait()
        s_cp.wait()

    return sc_gather


def kernel(e3_idx, table, W1, b1, W2, b2):
    idx = e3_idx.astype(jnp.int32)
    tlts = _mlp_call()(table, W1, b1.reshape(1, HID),
                       W2.reshape(1, HID), b2.reshape(1, 1))
    logits, score = _gather_call()(idx, tlts.reshape(2 * _L))
    return logits, score

# --- scband reference (transcript-rebuilt; emitter-appended) ---
"""Pipeline reference for scband-e3-only-model-27891517620922 (READ-ONLY COPY).

The authoritative reference and input builder live on the scoring server;
editing this copy changes nothing except your own understanding.
"""

import jax, jax.numpy as jnp
import numpy as np

NUM_E3 = 12  # len(e3_names)
E3_DIM = 64
BATCH = 16384

def setup_inputs(seed: int = 0) -> dict:
    key = jax.random.key(seed)
    k1, k2, k3, k4, k5, k6 = jax.random.split(key, 6)
    e3_idx = jax.random.randint(k1, (BATCH,), 0, NUM_E3, dtype=jnp.int64 if jax.config.jax_enable_x64 else jnp.int32)
    table = jax.random.normal(k2, (NUM_E3, E3_DIM), dtype=jnp.float32)
    W1 = jax.random.normal(k3, (E3_DIM, 32), dtype=jnp.float32) * (1.0 / np.sqrt(E3_DIM))
    b1 = jax.random.normal(k4, (32,), dtype=jnp.float32) * 0.01
    W2 = jax.random.normal(k5, (32, 1), dtype=jnp.float32) * (1.0 / np.sqrt(32.0))
    b2 = jax.random.normal(k6, (1,), dtype=jnp.float32) * 0.01
    return {"e3_idx": e3_idx, "table": table, "W1": W1, "b1": b1, "W2": W2, "b2": b2}

def reference(e3_idx, table, W1, b1, W2, b2):
    # E3 embedding lookup (eval mode: dropout is identity)
    e3_emb = jnp.take(table, e3_idx, axis=0)              # [B, 64]
    h = jnp.maximum(e3_emb @ W1 + b1, 0.0)                # Linear(64,32) + ReLU
    logits = (h @ W2 + b2).squeeze(-1)                    # Linear(32,1) -> [B]
    score = jax.nn.sigmoid(logits)
    return (logits, score)

if __name__ == "__main__":
    import jax
    _d = setup_inputs()
    print(jax.jit(kernel)(*tuple(_d.values())))

</pallas_src>

<mosaic_0001>
#map = affine_map<(d0, d1) -> (0)>
module attributes {stable_mosaic.version = 14 : i64} {
  func.func @sc_gather(%arg0: i32, %arg1: i32, %arg2: memref<16384xi32, #tpu.memory_space<hbm>>, %arg3: memref<32xf32, #tpu.memory_space<hbm>>, %arg4: memref<16384xf32, #tpu.memory_space<hbm>>, %arg5: memref<16384xf32, #tpu.memory_space<hbm>>, %arg6: memref<1024xi32, #tpu.memory_space<vmem>>, %arg7: memref<32xf32, #tpu.memory_space<vmem>>, %arg8: memref<1024xf32, #tpu.memory_space<vmem>>, %arg9: memref<1024xf32, #tpu.memory_space<vmem>>, %arg10: memref<!tpu.dma_semaphore, #tpu.memory_space<semaphore_mem>>, %arg11: memref<!tpu.dma_semaphore, #tpu.memory_space<semaphore_mem>>, %arg12: memref<!tpu.dma_semaphore, #tpu.memory_space<semaphore_mem>>) attributes {dimension_semantics = [#tpu.dimension_semantics<core_parallel>, #tpu.dimension_semantics<subcore_parallel>], iteration_bounds = array<i64: 1, 16>, scalar_prefetch = 0 : i64, scratch_operands = 7 : i64, tpu.core_type = #tpu.core_type<sc_vector_subcore>, window_params = [{transform_indices = #map}, {transform_indices = #map}, {transform_indices = #map}, {transform_indices = #map}]} {
    %mul3A = arith.constant 1 : i32
    %mul3A_0 = arith.muli %arg1, %mul3A : i32
    %add3A = arith.addi %mul3A_0, %arg0 : i32
    %mul3A_1 = arith.constant 1024 : i32
    %mul3A_2 = arith.muli %add3A, %mul3A_1 : i32
    %dma_start3A = tpu.memref_slice %arg2[%mul3A_2] : memref<16384xi32, #tpu.memory_space<hbm>> -> memref<1024xi32, #tpu.memory_space<hbm>>
    %dma_start3A_3 = tpu.memref_slice %arg2[%mul3A_2] : memref<16384xi32, #tpu.memory_space<hbm>> -> memref<1024xi32, #tpu.memory_space<hbm>>
    tpu.enqueue_dma source(%dma_start3A_3 : memref<1024xi32, #tpu.memory_space<hbm>>) target(%arg6 : memref<1024xi32, #tpu.memory_space<vmem>>) target_semaphore(%arg10 : memref<!tpu.dma_semaphore, #tpu.memory_space<semaphore_mem>>)
    "tpu.region"() ({
      %run_scoped3A = tpu.sem_alloc : memref<!tpu.dma_semaphore, #tpu.memory_space<semaphore_mem>>
      tpu.enqueue_dma source(%arg3 : memref<32xf32, #tpu.memory_space<hbm>>) target(%arg7 : memref<32xf32, #tpu.memory_space<vmem>>) target_semaphore(%run_scoped3A : memref<!tpu.dma_semaphore, #tpu.memory_space<semaphore_mem>>)
      tpu.wait_dma2 semaphore(%run_scoped3A : memref<!tpu.dma_semaphore, #tpu.memory_space<semaphore_mem>>) src(%arg3 : memref<32xf32, #tpu.memory_space<hbm>>) dst(%arg7 : memref<32xf32, #tpu.memory_space<vmem>>)
      tpu.yield
    }) : () -> ()
    %get3A = arith.constant 0 : index
    %get3A_4 = tpu.vector_load %arg7[%get3A] {strides = array<i32>} : memref<32xf32, #tpu.memory_space<vmem>>, vector<16xf32>,
    %get3A_5 = vector.shape_cast %get3A_4 : vector<16xf32> to vector<16xf32>
    %get3A_6 = arith.constant 16 : index
    %get3A_7 = tpu.vector_load %arg7[%get3A_6] {strides = array<i32>} : memref<32xf32, #tpu.memory_space<vmem>>, vector<16xf32>,
    %get3A_8 = vector.shape_cast %get3A_7 : vector<16xf32> to vector<16xf32>
    %dma_wait3A = tpu.memref_slice %arg2[%mul3A_2] : memref<16384xi32, #tpu.memory_space<hbm>> -> memref<1024xi32, #tpu.memory_space<hbm>>
    %dma_wait3A_9 = tpu.memref_slice %arg2[%mul3A_2] : memref<16384xi32, #tpu.memory_space<hbm>> -> memref<1024xi32, #tpu.memory_space<hbm>>
    tpu.wait_dma2 semaphore(%arg10 : memref<!tpu.dma_semaphore, #tpu.memory_space<semaphore_mem>>) src(%dma_wait3A_9 : memref<1024xi32, #tpu.memory_space<hbm>>) dst(%arg6 : memref<1024xi32, #tpu.memory_space<vmem>>)
    %get3A_10 = arith.constant 0 : index
    %get3A_11 = tpu.vector_load %arg6[%get3A_10] {strides = array<i32>} : memref<1024xi32, #tpu.memory_space<vmem>>, vector<16xi32>,
    %get3A_12 = vector.shape_cast %get3A_11 : vector<16xi32> to vector<16xi32>
    %reshape3A = vector.shape_cast %get3A_12 : vector<16xi32> to vector<16x1xi32>
    %gather3A = vector.shape_cast %reshape3A : vector<16x1xi32> to vector<16xi32>
    %gather3A_13 = tpu.dynamic_gather %get3A_5[%gather3A] in [0] : vector<16xf32>, vector<16xi32> -> vector<16xf32>
    %swap3A = arith.constant 0 : index
    %swap3A_14 = tpu.vector_load %arg8[%swap3A] {strides = array<i32>} : memref<1024xf32, #tpu.memory_space<vmem>>, vector<16xf32>,
    %swap3A_15 = vector.shape_cast %swap3A_14 : vector<16xf32> to vector<16xf32>
    %swap3A_16 = vector.shape_cast %gather3A_13 : vector<16xf32> to vector<16xf32>
    tpu.vector_store %arg8[%swap3A], %swap3A_16 {strides = array<i32>} : memref<1024xf32, #tpu.memory_space<vmem>>, vector<16xf32>,
    %get3A_17 = arith.constant 16 : index
    %get3A_18 = tpu.vector_load %arg6[%get3A_17] {strides = array<i32>} : memref<1024xi32, #tpu.memory_space<vmem>>, vector<16xi32>,
    %get3A_19 = vector.shape_cast %get3A_18 : vector<16xi32> to vector<16xi32>
    %reshape3A_20 = vector.shape_cast %get3A_19 : vector<16xi32> to vector<16x1xi32>
    %gather3A_21 = vector.shape_cast %reshape3A_20 : vector<16x1xi32> to vector<16xi32>
    %gather3A_22 = tpu.dynamic_gather %get3A_5[%gather3A_21] in [0] : vector<16xf32>, vector<16xi32> -> vector<16xf32>
    %swap3A_23 = arith.constant 16 : index
    %swap3A_24 = tpu.vector_load %arg8[%swap3A_23] {strides = array<i32>} : memref<1024xf32, #tpu.memory_space<vmem>>, vector<16xf32>,
    %swap3A_25 = vector.shape_cast %swap3A_24 : vector<16xf32> to vector<16xf32>
    %swap3A_26 = vector.shape_cast %gather3A_22 : vector<16xf32> to vector<16xf32>
    tpu.vector_store %arg8[%swap3A_23], %swap3A_26 {strides = array<i32>} : memref<1024xf32, #tpu.memory_space<vmem>>, vector<16xf32>,
    %get3A_27 = arith.constant 32 : index
    %get3A_28 = tpu.vector_load %arg6[%get3A_27] {strides = array<i32>} : memref<1024xi32, #tpu.memory_space<vmem>>, vector<16xi32>,
    %get3A_29 = vector.shape_cast %get3A_28 : vector<16xi32> to vector<16xi32>
    %reshape3A_30 = vector.shape_cast %get3A_29 : vector<16xi32> to vector<16x1xi32>
    %gather3A_31 = vector.shape_cast %reshape3A_30 : vector<16x1xi32> to vector<16xi32>
    %gather3A_32 = tpu.dynamic_gather %get3A_5[%gather3A_31] in [0] : vector<16xf32>, vector<16xi32> -> vector<16xf32>
    %swap3A_33 = arith.constant 32 : index
    %swap3A_34 = tpu.vector_load %arg8[%swap3A_33] {strides = array<i32>} : memref<1024xf32, #tpu.memory_space<vmem>>, vector<16xf32>,
    %swap3A_35 = vector.shape_cast %swap3A_34 : vector<16xf32> to vector<16xf32>
    %swap3A_36 = vector.shape_cast %gather3A_32 : vector<16xf32> to vector<16xf32>
    tpu.vector_store %arg8[%swap3A_33], %swap3A_36 {strides = array<i32>} : memref<1024xf32, #tpu.memory_space<vmem>>, vector<16xf32>,
    %get3A_37 = arith.constant 48 : index
    %get3A_38 = tpu.vector_load %arg6[%get3A_37] {strides = array<i32>} : memref<1024xi32, #tpu.memory_space<vmem>>, vector<16xi32>,
    %get3A_39 = vector.shape_cast %get3A_38 : vector<16xi32> to vector<16xi32>
    %reshape3A_40 = vector.shape_cast %get3A_39 : vector<16xi32> to vector<16x1xi32>
    %gather3A_41 = vector.shape_cast %reshape3A_40 : vector<16x1xi32> to vector<16xi32>
    %gather3A_42 = tpu.dynamic_gather %get3A_5[%gather3A_41] in [0] : vector<16xf32>, vector<16xi32> -> vector<16xf32>
    %swap3A_43 = arith.constant 48 : index
    %swap3A_44 = tpu.vector_load %arg8[%swap3A_43] {strides = array<i32>} : memref<1024xf32, #tpu.memory_space<vmem>>, vector<16xf32>,
    %swap3A_45 = vector.shape_cast %swap3A_44 : vector<16xf32> to vector<16xf32>
    %swap3A_46 = vector.shape_cast %gather3A_42 : vector<16xf32> to vector<16xf32>
    tpu.vector_store %arg8[%swap3A_43], %swap3A_46 {strides = array<i32>} : memref<1024xf32, #tpu.memory_space<vmem>>, vector<16xf32>,
    %get3A_47 = arith.constant 64 : index
    %get3A_48 = tpu.vector_load %arg6[%get3A_47] {strides = array<i32>} : memref<1024xi32, #tpu.memory_space<vmem>>, vector<16xi32>,
    %get3A_49 = vector.shape_cast %get3A_48 : vector<16xi32> to vector<16xi32>
    %reshape3A_50 = vector.shape_cast %get3A_49 : vector<16xi32> to vector<16x1xi32>
    %gather3A_51 = vector.shape_cast %reshape3A_50 : vector<16x1xi32> to vector<16xi32>
    %gather3A_52 = tpu.dynamic_gather %get3A_5[%gather3A_51] in [0] : vector<16xf32>, vector<16xi32> -> vector<16xf32>
    %swap3A_53 = arith.constant 64 : index
    %swap3A_54 = tpu.vector_load %arg8[%swap3A_53] {strides = array<i32>} : memref<1024xf32, #tpu.memory_space<vmem>>, vector<16xf32>,
    %swap3A_55 = vector.shape_cast %swap3A_54 : vector<16xf32> to vector<16xf32>
    %swap3A_56 = vector.shape_cast %gather3A_52 : vector<16xf32> to vector<16xf32>
    tpu.vector_store %arg8[%swap3A_53], %swap3A_56 {strides = array<i32>} : memref<1024xf32, #tpu.memory_space<vmem>>, vector<16xf32>,
    %get3A_57 = arith.constant 80 : index
    %get3A_58 = tpu.vector_load %arg6[%get3A_57] {strides = array<i32>} : memref<1024xi32, #tpu.memory_space<vmem>>, vector<16xi32>,
    %get3A_59 = vector.shape_cast %get3A_58 : vector<16xi32> to vector<16xi32>
    %reshape3A_60 = vector.shape_cast %get3A_59 : vector<16xi32> to vector<16x1xi32>
    %gather3A_61 = vector.shape_cast %reshape3A_60 : vector<16x1xi32> to vector<16xi32>
    %gather3A_62 = tpu.dynamic_gather %get3A_5[%gather3A_61] in [0] : vector<16xf32>, vector<16xi32> -> vector<16xf32>
    %swap3A_63 = arith.constant 80 : index
    %swap3A_64 = tpu.vector_load %arg8[%swap3A_63] {strides = array<i32>} : memref<1024xf32, #tpu.memory_space<vmem>>, vector<16xf32>,
    %swap3A_65 = vector.shape_cast %swap3A_64 : vector<16xf32> to vector<16xf32>
    %swap3A_66 = vector.shape_cast %gather3A_62 : vector<16xf32> to vector<16xf32>
    tpu.vector_store %arg8[%swap3A_63], %swap3A_66 {strides = array<i32>} : memref<1024xf32, #tpu.memory_space<vmem>>, vector<16xf32>,
    %get3A_67 = arith.constant 96 : index
    %get3A_68 = tpu.vector_load %arg6[%get3A_67] {strides = array<i32>} : memref<1024xi32, #tpu.memory_space<vmem>>, vector<16xi32>,
    %get3A_69 = vector.shape_cast %get3A_68 : vector<16xi32> to vector<16xi32>
    %reshape3A_70 = vector.shape_cast %get3A_69 : vector<16xi32> to vector<16x1xi32>
    %gather3A_71 = vector.shape_cast %reshape3A_70 : vector<16x1xi32> to vector<16xi32>
    %gather3A_72 = tpu.dynamic_gather %get3A_5[%gather3A_71] in [0] : vector<16xf32>, vector<16xi32> -> vector<16xf32>
    %swap3A_73 = arith.constant 96 : index
    %swap3A_74 = tpu.vector_load %arg8[%swap3A_73] {strides = array<i32>} : memref<1024xf32, #tpu.memory_space<vmem>>, vector<16xf32>,
    %swap3A_75 = vector.shape_cast %swap3A_74 : vector<16xf32> to vector<16xf32>
    %swap3A_76 = vector.shape_cast %gather3A_72 : vector<16xf32> to vector<16xf32>
    tpu.vector_store %arg8[%swap3A_73], %swap3A_76 {strides = array<i32>} : memref<1024xf32, #tpu.memory_space<vmem>>, vector<16xf32>,
    %get3A_77 = arith.constant 112 : index
    %get3A_78 = tpu.vector_load %arg6[%get3A_77] {strides = array<i32>} : memref<1024xi32, #tpu.memory_space<vmem>>, vector<16xi32>,
    %get3A_79 = vector.shape_cast %get3A_78 : vector<16xi32> to vector<16xi32>
    %reshape3A_80 = vector.shape_cast %get3A_79 : vector<16xi32> to vector<16x1xi32>
    %gather3A_81 = vector.shape_cast %reshape3A_80 : vector<16x1xi32> to vector<16xi32>
    %gather3A_82 = tpu.dynamic_gather %get3A_5[%gather3A_81] in [0] : vector<16xf32>, vector<16xi32> -> vector<16xf32>
    %swap3A_83 = arith.constant 112 : index
    %swap3A_84 = tpu.vector_load %arg8[%swap3A_83] {strides = array<i32>} : memref<1024xf32, #tpu.memory_space<vmem>>, vector<16xf32>,
    %swap3A_85 = vector.shape_cast %swap3A_84 : vector<16xf32> to vector<16xf32>
    %swap3A_86 = vector.shape_cast %gather3A_82 : vector<16xf32> to vector<16xf32>
    tpu.vector_store %arg8[%swap3A_83], %swap3A_86 {strides = array<i32>} : memref<1024xf32, #tpu.memory_space<vmem>>, vector<16xf32>,
    %get3A_87 = arith.constant 128 : index
    %get3A_88 = tpu.vector_load %arg6[%get3A_87] {strides = array<i32>} : memref<1024xi32, #tpu.memory_space<vmem>>, vector<16xi32>,
    %get3A_89 = vector.shape_cast %get3A_88 : vector<16xi32> to vector<16xi32>
    %reshape3A_90 = vector.shape_cast %get3A_89 : vector<16xi32> to vector<16x1xi32>
    %gather3A_91 = vector.shape_cast %reshape3A_90 : vector<16x1xi32> to vector<16xi32>
    %gather3A_92 = tpu.dynamic_gather %get3A_5[%gather3A_91] in [0] : vector<16xf32>, vector<16xi32> -> vector<16xf32>
    %swap3A_93 = arith.constant 128 : index
    %swap3A_94 = tpu.vector_load %arg8[%swap3A_93] {strides = array<i32>} : memref<1024xf32, #tpu.memory_space<vmem>>, vector<16xf32>,
    %swap3A_95 = vector.shape_cast %swap3A_94 : vector<16xf32> to vector<16xf32>
    %swap3A_96 = vector.shape_cast %gather3A_92 : vector<16xf32> to vector<16xf32>
    tpu.vector_store %arg8[%swap3A_93], %swap3A_96 {strides = array<i32>} : memref<1024xf32, #tpu.memory_space<vmem>>, vector<16xf32>,
    %get3A_97 = arith.constant 144 : index
    %get3A_98 = tpu.vector_load %arg6[%get3A_97] {strides = array<i32>} : memref<1024xi32, #tpu.memory_space<vmem>>, vector<16xi32>,
    %get3A_99 = vector.shape_cast %get3A_98 : vector<16xi32> to vector<16xi32>
    %reshape3A_100 = vector.shape_cast %get3A_99 : vector<16xi32> to vector<16x1xi32>
    %gather3A_101 = vector.shape_cast %reshape3A_100 : vector<16x1xi32> to vector<16xi32>
    %gather3A_102 = tpu.dynamic_gather %get3A_5[%gather3A_101] in [0] : vector<16xf32>, vector<16xi32> -> vector<16xf32>
    %swap3A_103 = arith.constant 144 : index
    %swap3A_104 = tpu.vector_load %arg8[%swap3A_103] {strides = array<i32>} : memref<1024xf32, #tpu.memory_space<vmem>>, vector<16xf32>,
    %swap3A_105 = vector.shape_cast %swap3A_104 : vector<16xf32> to vector<16xf32>
    %swap3A_106 = vector.shape_cast %gather3A_102 : vector<16xf32> to vector<16xf32>
    tpu.vector_store %arg8[%swap3A_103], %swap3A_106 {strides = array<i32>} : memref<1024xf32, #tpu.memory_space<vmem>>, vector<16xf32>,
    %get3A_107 = arith.constant 160 : index
    %get3A_108 = tpu.vector_load %arg6[%get3A_107] {strides = array<i32>} : memref<1024xi32, #tpu.memory_space<vmem>>, vector<16xi32>,
    %get3A_109 = vector.shape_cast %get3A_108 : vector<16xi32> to vector<16xi32>
    %reshape3A_110 = vector.shape_cast %get3A_109 : vector<16xi32> to vector<16x1xi32>
    %gather3A_111 = vector.shape_cast %reshape3A_110 : vector<16x1xi32> to vector<16xi32>
    %gather3A_112 = tpu.dynamic_gather %get3A_5[%gather3A_111] in [0] : vector<16xf32>, vector<16xi32> -> vector<16xf32>
    %swap3A_113 = arith.constant 160 : index
    %swap3A_114 = tpu.vector_load %arg8[%swap3A_113] {strides = array<i32>} : memref<1024xf32, #tpu.memory_space<vmem>>, vector<16xf32>,
    %swap3A_115 = vector.shape_cast %swap3A_114 : vector<16xf32> to vector<16xf32>
    %swap3A_116 = vector.shape_cast %gather3A_112 : vector<16xf32> to vector<16xf32>
    tpu.vector_store %arg8[%swap3A_113], %swap3A_116 {strides = array<i32>} : memref<1024xf32, #tpu.memory_space<vmem>>, vector<16xf32>,
    %get3A_117 = arith.constant 176 : index
    %get3A_118 = tpu.vector_load %arg6[%get3A_117] {strides = array<i32>} : memref<1024xi32, #tpu.memory_space<vmem>>, vector<16xi32>,
    %get3A_119 = vector.shape_cast %get3A_118 : vector<16xi32> to vector<16xi32>
    %reshape3A_120 = vector.shape_cast %get3A_119 : vector<16xi32> to vector<16x1xi32>
    %gather3A_121 = vector.shape_cast %reshape3A_120 : vector<16x1xi32> to vector<16xi32>
    %gather3A_122 = tpu.dynamic_gather %get3A_5[%gather3A_121] in [0] : vector<16xf32>, vector<16xi32> -> vector<16xf32>
    %swap3A_123 = arith.constant 176 : index
    %swap3A_124 = tpu.vector_load %arg8[%swap3A_123] {strides = array<i32>} : memref<1024xf32, #tpu.memory_space<vmem>>, vector<16xf32>,
    %swap3A_125 = vector.shape_cast %swap3A_124 : vector<16xf32> to vector<16xf32>
    %swap3A_126 = vector.shape_cast %gather3A_122 : vector<16xf32> to vector<16xf32>
    tpu.vector_store %arg8[%swap3A_123], %swap3A_126 {strides = array<i32>} : memref<1024xf32, #tpu.memory_space<vmem>>, vector<16xf32>,
    %get3A_127 = arith.constant 192 : index
    %get3A_128 = tpu.vector_load %arg6[%get3A_127] {strides = array<i32>} : memref<1024xi32, #tpu.memory_space<vmem>>, vector<16xi32>,
    %get3A_129 = vector.shape_cast %get3A_128 : vector<16xi32> to vector<16xi32>
    %reshape3A_130 = vector.shape_cast %get3A_129 : vector<16xi32> to vector<16x1xi32>
    %gather3A_131 = vector.shape_cast %reshape3A_130 : vector<16x1xi32> to vector<16xi32>
    %gather3A_132 = tpu.dynamic_gather %get3A_5[%gather3A_131] in [0] : vector<16xf32>, vector<16xi32> -> vector<16xf32>
    %swap3A_133 = arith.constant 192 : index
    %swap3A_134 = tpu.vector_load %arg8[%swap3A_133] {strides = array<i32>} : memref<1024xf32, #tpu.memory_space<vmem>>, vector<16xf32>,
    %swap3A_135 = vector.shape_cast %swap3A_134 : vector<16xf32> to vector<16xf32>
    %swap3A_136 = vector.shape_cast %gather3A_132 : vector<16xf32> to vector<16xf32>
    tpu.vector_store %arg8[%swap3A_133], %swap3A_136 {strides = array<i32>} : memref<1024xf32, #tpu.memory_space<vmem>>, vector<16xf32>,
    %get3A_137 = arith.constant 208 : index
    %get3A_138 = tpu.vector_load %arg6[%get3A_137] {strides = array<i32>} : memref<1024xi32, #tpu.memory_space<vmem>>, vector<16xi32>,
    %get3A_139 = vector.shape_cast %get3A_138 : vector<16xi32> to vector<16xi32>
    %reshape3A_140 = vector.shape_cast %get3A_139 : vector<16xi32> to vector<16x1xi32>
    %gather3A_141 = vector.shape_cast %reshape3A_140 : vector<16x1xi32> to vector<16xi32>
    %gather3A_142 = tpu.dynamic_gather %get3A_5[%gather3A_141] in [0] : vector<16xf32>, vector<16xi32> -> vector<16xf32>
    %swap3A_143 = arith.constant 208 : index
    %swap3A_144 = tpu.vector_load %arg8[%swap3A_143] {strides = array<i32>} : memref<1024xf32, #tpu.memory_space<vmem>>, vector<16xf32>,
    %swap3A_145 = vector.shape_cast %swap3A_144 : vector<16xf32> to vector<16xf32>
    %swap3A_146 = vector.shape_cast %gather3A_142 : vector<16xf32> to vector<16xf32>
    tpu.vector_store %arg8[%swap3A_143], %swap3A_146 {strides = array<i32>} : memref<1024xf32, #tpu.memory_space<vmem>>, vector<16xf32>,
    %get3A_147 = arith.constant 224 : index
    %get3A_148 = tpu.vector_load %arg6[%get3A_147] {strides = array<i32>} : memref<1024xi32, #tpu.memory_space<vmem>>, vector<16xi32>,
    %get3A_149 = vector.shape_cast %get3A_148 : vector<16xi32> to vector<16xi32>
    %reshape3A_150 = vector.shape_cast %get3A_149 : vector<16xi32> to vector<16x1xi32>
    %gather3A_151 = vector.shape_cast %reshape3A_150 : vector<16x1xi32> to vector<16xi32>
    %gather3A_152 = tpu.dynamic_gather %get3A_5[%gather3A_151] in [0] : vector<16xf32>, vector<16xi32> -> vector<16xf32>
    %swap3A_153 = arith.constant 224 : index
    %swap3A_154 = tpu.vector_load %arg8[%swap3A_153] {strides = array<i32>} : memref<1024xf32, #tpu.memory_space<vmem>>, vector<16xf32>,
    %swap3A_155 = vector.shape_cast %swap3A_154 : vector<16xf32> to vector<16xf32>
    %swap3A_156 = vector.shape_cast %gather3A_152 : vector<16xf32> to vector<16xf32>
    tpu.vector_store %arg8[%swap3A_153], %swap3A_156 {strides = array<i32>} : memref<1024xf32, #tpu.memory_space<vmem>>, vector<16xf32>,
    %get3A_157 = arith.constant 240 : index
    %get3A_158 = tpu.vector_load %arg6[%get3A_157] {strides = array<i32>} : memref<1024xi32, #tpu.memory_space<vmem>>, vector<16xi32>,
    %get3A_159 = vector.shape_cast %get3A_158 : vector<16xi32> to vector<16xi32>
    %reshape3A_160 = vector.shape_cast %get3A_159 : vector<16xi32> to vector<16x1xi32>
    %gather3A_161 = vector.shape_cast %reshape3A_160 : vector<16x1xi32> to vector<16xi32>
    %gather3A_162 = tpu.dynamic_gather %get3A_5[%gather3A_161] in [0] : vector<16xf32>, vector<16xi32> -> vector<16xf32>
    %swap3A_163 = arith.constant 240 : index
    %swap3A_164 = tpu.vector_load %arg8[%swap3A_163] {strides = array<i32>} : memref<1024xf32, #tpu.memory_space<vmem>>, vector<16xf32>,
    %swap3A_165 = vector.shape_cast %swap3A_164 : vector<16xf32> to vector<16xf32>
    %swap3A_166 = vector.shape_cast %gather3A_162 : vector<16xf32> to vector<16xf32>
    tpu.vector_store %arg8[%swap3A_163], %swap3A_166 {strides = array<i32>} : memref<1024xf32, #tpu.memory_space<vmem>>, vector<16xf32>,
    %get3A_167 = arith.constant 256 : index
    %get3A_168 = tpu.vector_load %arg6[%get3A_167] {strides = array<i32>} : memref<1024xi32, #tpu.memory_space<vmem>>, vector<16xi32>,
    %get3A_169 = vector.shape_cast %get3A_168 : vector<16xi32> to vector<16xi32>
    %reshape3A_170 = vector.shape_cast %get3A_169 : vector<16xi32> to vector<16x1xi32>
    %gather3A_171 = vector.shape_cast %reshape3A_170 : vector<16x1xi32> to vector<16xi32>
    %gather3A_172 = tpu.dynamic_gather %get3A_5[%gather3A_171] in [0] : vector<16xf32>, vector<16xi32> -> vector<16xf32>
    %swap3A_173 = arith.constant 256 : index
    %swap3A_174 = tpu.vector_load %arg8[%swap3A_173] {strides = array<i32>} : memref<1024xf32, #tpu.memory_space<vmem>>, vector<16xf32>,
    %swap3A_175 = vector.shape_cast %swap3A_174 : vector<16xf32> to vector<16xf32>
    %swap3A_176 = vector.shape_cast %gather3A_172 : vector<16xf32> to vector<16xf32>
    tpu.vector_store %arg8[%swap3A_173], %swap3A_176 {strides = array<i32>} : memref<1024xf32, #tpu.memory_space<vmem>>, vector<16xf32>,
    %get3A_177 = arith.constant 272 : index
    %get3A_178 = tpu.vector_load %arg6[%get3A_177] {strides = array<i32>} : memref<1024xi32, #tpu.memory_space<vmem>>, vector<16xi32>,
    %get3A_179 = vector.shape_cast %get3A_178 : vector<16xi32> to vector<16xi32>
    %reshape3A_180 = vector.shape_cast %get3A_179 : vector<16xi32> to vector<16x1xi32>
    %gather3A_181 = vector.shape_cast %reshape3A_180 : vector<16x1xi32> to vector<16xi32>
    %gather3A_182 = tpu.dynamic_gather %get3A_5[%gather3A_181] in [0] : vector<16xf32>, vector<16xi32> -> vector<16xf32>
    %swap3A_183 = arith.constant 272 : index
    %swap3A_184 = tpu.vector_load %arg8[%swap3A_183] {strides = array<i32>} : memref<1024xf32, #tpu.memory_space<vmem>>, vector<16xf32>,
    %swap3A_185 = vector.shape_cast %swap3A_184 : vector<16xf32> to vector<16xf32>
    %swap3A_186 = vector.shape_cast %gather3A_182 : vector<16xf32> to vector<16xf32>
    tpu.vector_store %arg8[%swap3A_183], %swap3A_186 {strides = array<i32>} : memref<1024xf32, #tpu.memory_space<vmem>>, vector<16xf32>,
    %get3A_187 = arith.constant 288 : index
    %get3A_188 = tpu.vector_load %arg6[%get3A_187] {strides = array<i32>} : memref<1024xi32, #tpu.memory_space<vmem>>, vector<16xi32>,
    %get3A_189 = vector.shape_cast %get3A_188 : vector<16xi32> to vector<16xi32>
    %reshape3A_190 = vector.shape_cast %get3A_189 : vector<16xi32> to vector<16x1xi32>
    %gather3A_191 = vector.shape_cast %reshape3A_190 : vector<16x1xi32> to vector<16xi32>
    %gather3A_192 = tpu.dynamic_gather %get3A_5[%gather3A_191] in [0] : vector<16xf32>, vector<16xi32> -> vector<16xf32>
    %swap3A_193 = arith.constant 288 : index
    %swap3A_194 = tpu.vector_load %arg8[%swap3A_193] {strides = array<i32>} : memref<1024xf32, #tpu.memory_space<vmem>>, vector<16xf32>,
    %swap3A_195 = vector.shape_cast %swap3A_194 : vector<16xf32> to vector<16xf32>
    %swap3A_196 = vector.shape_cast %gather3A_192 : vector<16xf32> to vector<16xf32>
    tpu.vector_store %arg8[%swap3A_193], %swap3A_196 {strides = array<i32>} : memref<1024xf32, #tpu.memory_space<vmem>>, vector<16xf32>,
    %get3A_197 = arith.constant 304 : index
    %get3A_198 = tpu.vector_load %arg6[%get3A_197] {strides = array<i32>} : memref<1024xi32, #tpu.memory_space<vmem>>, vector<16xi32>,
    %get3A_199 = vector.shape_cast %get3A_198 : vector<16xi32> to vector<16xi32>
    %reshape3A_200 = vector.shape_cast %get3A_199 : vector<16xi32> to vector<16x1xi32>
    %gather3A_201 = vector.shape_cast %reshape3A_200 : vector<16x1xi32> to vector<16xi32>
    %gather3A_202 = tpu.dynamic_gather %get3A_5[%gather3A_201] in [0] : vector<16xf32>, vector<16xi32> -> vector<16xf32>
    %swap3A_203 = arith.constant 304 : index
    %swap3A_204 = tpu.vector_load %arg8[%swap3A_203] {strides = array<i32>} : memref<1024xf32, #tpu.memory_space<vmem>>, vector<16xf32>,
    %swap3A_205 = vector.shape_cast %swap3A_204 : vector<16xf32> to vector<16xf32>
    %swap3A_206 = vector.shape_cast %gather3A_202 : vector<16xf32> to vector<16xf32>
    tpu.vector_store %arg8[%swap3A_203], %swap3A_206 {strides = array<i32>} : memref<1024xf32, #tpu.memory_space<vmem>>, vector<16xf32>,
    %get3A_207 = arith.constant 320 : index
    %get3A_208 = tpu.vector_load %arg6[%get3A_207] {strides = array<i32>} : memref<1024xi32, #tpu.memory_space<vmem>>, vector<16xi32>,
    %get3A_209 = vector.shape_cast %get3A_208 : vector<16xi32> to vector<16xi32>
    %reshape3A_210 = vector.shape_cast %get3A_209 : vector<16xi32> to vector<16x1xi32>
    %gather3A_211 = vector.shape_cast %reshape3A_210 : vector<16x1xi32> to vector<16xi32>
    %gather3A_212 = tpu.dynamic_gather %get3A_5[%gather3A_211] in [0] : vector<16xf32>, vector<16xi32> -> vector<16xf32>
    %swap3A_213 = arith.constant 320 : index
    %swap3A_214 = tpu.vector_load %arg8[%swap3A_213] {strides = array<i32>} : memref<1024xf32, #tpu.memory_space<vmem>>, vector<16xf32>,
    %swap3A_215 = vector.shape_cast %swap3A_214 : vector<16xf32> to vector<16xf32>
    %swap3A_216 = vector.shape_cast %gather3A_212 : vector<16xf32> to vector<16xf32>
    tpu.vector_store %arg8[%swap3A_213], %swap3A_216 {strides = array<i32>} : memref<1024xf32, #tpu.memory_space<vmem>>, vector<16xf32>,
    %get3A_217 = arith.constant 336 : index
    %get3A_218 = tpu.vector_load %arg6[%get3A_217] {strides = array<i32>} : memref<1024xi32, #tpu.memory_space<vmem>>, vector<16xi32>,
    %get3A_219 = vector.shape_cast %get3A_218 : vector<16xi32> to vector<16xi32>
    %reshape3A_220 = vector.shape_cast %get3A_219 : vector<16xi32> to vector<16x1xi32>
    %gather3A_221 = vector.shape_cast %reshape3A_220 : vector<16x1xi32> to vector<16xi32>
    %gather3A_222 = tpu.dynamic_gather %get3A_5[%gather3A_221] in [0] : vector<16xf32>, vector<16xi32> -> vector<16xf32>
    %swap3A_223 = arith.constant 336 : index
    %swap3A_224 = tpu.vector_load %arg8[%swap3A_223] {strides = array<i32>} : memref<1024xf32, #tpu.memory_space<vmem>>, vector<16xf32>,
    %swap3A_225 = vector.shape_cast %swap3A_224 : vector<16xf32> to vector<16xf32>
    %swap3A_226 = vector.shape_cast %gather3A_222 : vector<16xf32> to vector<16xf32>
    tpu.vector_store %arg8[%swap3A_223], %swap3A_226 {strides = array<i32>} : memref<1024xf32, #tpu.memory_space<vmem>>, vector<16xf32>,
    %get3A_227 = arith.constant 352 : index
    %get3A_228 = tpu.vector_load %arg6[%get3A_227] {strides = array<i32>} : memref<1024xi32, #tpu.memory_space<vmem>>, vector<16xi32>,
    %get3A_229 = vector.shape_cast %get3A_228 : vector<16xi32> to vector<16xi32>
    %reshape3A_230 = vector.shape_cast %get3A_229 : vector<16xi32> to vector<16x1xi32>
    %gather3A_231 = vector.shape_cast %reshape3A_230 : vector<16x1xi32> to vector<16xi32>
    %gather3A_232 = tpu.dynamic_gather %get3A_5[%gather3A_231] in [0] : vector<16xf32>, vector<16xi32> -> vector<16xf32>
    %swap3A_233 = arith.constant 352 : index
    %swap3A_234 = tpu.vector_load %arg8[%swap3A_233] {strides = array<i32>} : memref<1024xf32, #tpu.memory_space<vmem>>, vector<16xf32>,
    %swap3A_235 = vector.shape_cast %swap3A_234 : vector<16xf32> to vector<16xf32>
    %swap3A_236 = vector.shape_cast %gather3A_232 : vector<16xf32> to vector<16xf32>
    tpu.vector_store %arg8[%swap3A_233], %swap3A_236 {strides = array<i32>} : memref<1024xf32, #tpu.memory_space<vmem>>, vector<16xf32>,
    %get3A_237 = arith.constant 368 : index
    %get3A_238 = tpu.vector_load %arg6[%get3A_237] {strides = array<i32>} : memref<1024xi32, #tpu.memory_space<vmem>>, vector<16xi32>,
    %get3A_239 = vector.shape_cast %get3A_238 : vector<16xi32> to vector<16xi32>
    %reshape3A_240 = vector.shape_cast %get3A_239 : vector<16xi32> to vector<16x1xi32>
    %gather3A_241 = vector.shape_cast %reshape3A_240 : vector<16x1xi32> to vector<16xi32>
    %gather3A_242 = tpu.dynamic_gather %get3A_5[%gather3A_241] in [0] : vector<16xf32>, vector<16xi32> -> vector<16xf32>
    %swap3A_243 = arith.constant 368 : index
    %swap3A_244 = tpu.vector_load %arg8[%swap3A_243] {strides = array<i32>} : memref<1024xf32, #tpu.memory_space<vmem>>, vector<16xf32>,
    %swap3A_245 = vector.shape_cast %swap3A_244 : vector<16xf32> to vector<16xf32>
    %swap3A_246 = vector.shape_cast %gather3A_242 : vector<16xf32> to vector<16xf32>
    tpu.vector_store %arg8[%swap3A_243], %swap3A_246 {strides = array<i32>} : memref<1024xf32, #tpu.memory_space<vmem>>, vector<16xf32>,
    %get3A_247 = arith.constant 384 : index
    %get3A_248 = tpu.vector_load %arg6[%get3A_247] {strides = array<i32>} : memref<1024xi32, #tpu.memory_space<vmem>>, vector<16xi32>,
    %get3A_249 = vector.shape_cast %get3A_248 : vector<16xi32> to vector<16xi32>
    %reshape3A_250 = vector.shape_cast %get3A_249 : vector<16xi32> to vector<16x1xi32>
    %gather3A_251 = vector.shape_cast %reshape3A_250 : vector<16x1xi32> to vector<16xi32>
    %gather3A_252 = tpu.dynamic_gather %get3A_5[%gather3A_251] in [0] : vector<16xf32>, vector<16xi32> -> vector<16xf32>
    %swap3A_253 = arith.constant 384 : index
    %swap3A_254 = tpu.vector_load %arg8[%swap3A_253] {strides = array<i32>} : memref<1024xf32, #tpu.memory_space<vmem>>, vector<16xf32>,
    %swap3A_255 = vector.shape_cast %swap3A_254 : vector<16xf32> to vector<16xf32>
    %swap3A_256 = vector.shape_cast %gather3A_252 : vector<16xf32> to vector<16xf32>
    tpu.vector_store %arg8[%swap3A_253], %swap3A_256 {strides = array<i32>} : memref<1024xf32, #tpu.memory_space<vmem>>, vector<16xf32>,
    %get3A_257 = arith.constant 400 : index
    %get3A_258 = tpu.vector_load %arg6[%get3A_257] {strides = array<i32>} : memref<1024xi32, #tpu.memory_space<vmem>>, vector<16xi32>,
    %get3A_259 = vector.shape_cast %get3A_258 : vector<16xi32> to vector<16xi32>
    %reshape3A_260 = vector.shape_cast %get3A_259 : vector<16xi32> to vector<16x1xi32>
    %gather3A_261 = vector.shape_cast %reshape3A_260 : vector<16x1xi32> to vector<16xi32>
    %gather3A_262 = tpu.dynamic_gather %get3A_5[%gather3A_261] in [0] : vector<16xf32>, vector<16xi32> -> vector<16xf32>
    %swap3A_263 = arith.constant 400 : index
    %swap3A_264 = tpu.vector_load %arg8[%swap3A_263] {strides = array<i32>} : memref<1024xf32, #tpu.memory_space<vmem>>, vector<16xf32>,
    %swap3A_265 = vector.shape_cast %swap3A_264 : vector<16xf32> to vector<16xf32>
    %swap3A_266 = vector.shape_cast %gather3A_262 : vector<16xf32> to vector<16xf32>
    tpu.vector_store %arg8[%swap3A_263], %swap3A_266 {strides = array<i32>} : memref<1024xf32, #tpu.memory_space<vmem>>, vector<16xf32>,
    %get3A_267 = arith.constant 416 : index
    %get3A_268 = tpu.vector_load %arg6[%get3A_267] {strides = array<i32>} : memref<1024xi32, #tpu.memory_space<vmem>>, vector<16xi32>,
    %get3A_269 = vector.shape_cast %get3A_268 : vector<16xi32> to vector<16xi32>
    %reshape3A_270 = vector.shape_cast %get3A_269 : vector<16xi32> to vector<16x1xi32>
    %gather3A_271 = vector.shape_cast %reshape3A_270 : vector<16x1xi32> to vector<16xi32>
    %gather3A_272 = tpu.dynamic_gather %get3A_5[%gather3A_271] in [0] : vector<16xf32>, vector<16xi32> -> vector<16xf32>
    %swap3A_273 = arith.constant 416 : index
    %swap3A_274 = tpu.vector_load %arg8[%swap3A_273] {strides = array<i32>} : memref<1024xf32, #tpu.memory_space<vmem>>, vector<16xf32>,
    %swap3A_275 = vector.shape_cast %swap3A_274 : vector<16xf32> to vector<16xf32>
    %swap3A_276 = vector.shape_cast %gather3A_272 : vector<16xf32> to vector<16xf32>
    tpu.vector_store %arg8[%swap3A_273], %swap3A_276 {strides = array<i32>} : memref<1024xf32, #tpu.memory_space<vmem>>, vector<16xf32>,
    %get3A_277 = arith.constant 432 : index
    %get3A_278 = tpu.vector_load %arg6[%get3A_277] {strides = array<i32>} : memref<1024xi32, #tpu.memory_space<vmem>>, vector<16xi32>,
    %get3A_279 = vector.shape_cast %get3A_278 : vector<16xi32> to vector<16xi32>
    %reshape3A_280 = vector.shape_cast %get3A_279 : vector<16xi32> to vector<16x1xi32>
    %gather3A_281 = vector.shape_cast %reshape3A_280 : vector<16x1xi32> to vector<16xi32>
    %gather3A_282 = tpu.dynamic_gather %get3A_5[%gather3A_281] in [0] : vector<16xf32>, vector<16xi32> -> vector<16xf32>
    %swap3A_283 = arith.constant 432 : index
    %swap3A_284 = tpu.vector_load %arg8[%swap3A_283] {strides = array<i32>} : memref<1024xf32, #tpu.memory_space<vmem>>, vector<16xf32>,
    %swap3A_285 = vector.shape_cast %swap3A_284 : vector<16xf32> to vector<16xf32>
    %swap3A_286 = vector.shape_cast %gather3A_282 : vector<16xf32> to vector<16xf32>
    tpu.vector_store %arg8[%swap3A_283], %swap3A_286 {strides = array<i32>} : memref<1024xf32, #tpu.memory_space<vmem>>, vector<16xf32>,
    %get3A_287 = arith.constant 448 : index
    %get3A_288 = tpu.vector_load %arg6[%get3A_287] {strides = array<i32>} : memref<1024xi32, #tpu.memory_space<vmem>>, vector<16xi32>,
    %get3A_289 = vector.shape_cast %get3A_288 : vector<16xi32> to vector<16xi32>
    %reshape3A_290 = vector.shape_cast %get3A_289 : vector<16xi32> to vector<16x1xi32>
    %gather3A_291 = vector.shape_cast %reshape3A_290 : vector<16x1xi32> to vector<16xi32>
    %gather3A_292 = tpu.dynamic_gather %get3A_5[%gather3A_291] in [0] : vector<16xf32>, vector<16xi32> -> vector<16xf32>
    %swap3A_293 = arith.constant 448 : index
    %swap3A_294 = tpu.vector_load %arg8[%swap3A_293] {strides = array<i32>} : memref<1024xf32, #tpu.memory_space<vmem>>, vector<16xf32>,
    %swap3A_295 = vector.shape_cast %swap3A_294 : vector<16xf32> to vector<16xf32>
    %swap3A_296 = vector.shape_cast %gather3A_292 : vector<16xf32> to vector<16xf32>
    tpu.vector_store %arg8[%swap3A_293], %swap3A_296 {strides = array<i32>} : memref<1024xf32, #tpu.memory_space<vmem>>, vector<16xf32>,
    %get3A_297 = arith.constant 464 : index
    %get3A_298 = tpu.vector_load %arg6[%get3A_297] {strides = array<i32>} : memref<1024xi32, #tpu.memory_space<vmem>>, vector<16xi32>,
    %get3A_299 = vector.shape_cast %get3A_298 : vector<16xi32> to vector<16xi32>
    %reshape3A_300 = vector.shape_cast %get3A_299 : vector<16xi32> to vector<16x1xi32>
    %gather3A_301 = vector.shape_cast %reshape3A_300 : vector<16x1xi32> to vector<16xi32>
    %gather3A_302 = tpu.dynamic_gather %get3A_5[%gather3A_301] in [0] : vector<16xf32>, vector<16xi32> -> vector<16xf32>
    %swap3A_303 = arith.constant 464 : index
    %swap3A_304 = tpu.vector_load %arg8[%swap3A_303] {strides = array<i32>} : memref<1024xf32, #tpu.memory_space<vmem>>, vector<16xf32>,
    %swap3A_305 = vector.shape_cast %swap3A_304 : vector<16xf32> to vector<16xf32>
    %swap3A_306 = vector.shape_cast %gather3A_302 : vector<16xf32> to vector<16xf32>
    tpu.vector_store %arg8[%swap3A_303], %swap3A_306 {strides = array<i32>} : memref<1024xf32, #tpu.memory_space<vmem>>, vector<16xf32>,
    %get3A_307 = arith.constant 480 : index
    %get3A_308 = tpu.vector_load %arg6[%get3A_307] {strides = array<i32>} : memref<1024xi32, #tpu.memory_space<vmem>>, vector<16xi32>,
    %get3A_309 = vector.shape_cast %get3A_308 : vector<16xi32> to vector<16xi32>
    %reshape3A_310 = vector.shape_cast %get3A_309 : vector<16xi32> to vector<16x1xi32>
    %gather3A_311 = vector.shape_cast %reshape3A_310 : vector<16x1xi32> to vector<16xi32>
    %gather3A_312 = tpu.dynamic_gather %get3A_5[%gather3A_311] in [0] : vector<16xf32>, vector<16xi32> -> vector<16xf32>
    %swap3A_313 = arith.constant 480 : index
    %swap3A_314 = tpu.vector_load %arg8[%swap3A_313] {strides = array<i32>} : memref<1024xf32, #tpu.memory_space<vmem>>, vector<16xf32>,
    %swap3A_315 = vector.shape_cast %swap3A_314 : vector<16xf32> to vector<16xf32>
    %swap3A_316 = vector.shape_cast %gather3A_312 : vector<16xf32> to vector<16xf32>
    tpu.vector_store %arg8[%swap3A_313], %swap3A_316 {strides = array<i32>} : memref<1024xf32, #tpu.memory_space<vmem>>, vector<16xf32>,
    %get3A_317 = arith.constant 496 : index
    %get3A_318 = tpu.vector_load %arg6[%get3A_317] {strides = array<i32>} : memref<1024xi32, #tpu.memory_space<vmem>>, vector<16xi32>,
    %get3A_319 = vector.shape_cast %get3A_318 : vector<16xi32> to vector<16xi32>
    %reshape3A_320 = vector.shape_cast %get3A_319 : vector<16xi32> to vector<16x1xi32>
    %gather3A_321 = vector.shape_cast %reshape3A_320 : vector<16x1xi32> to vector<16xi32>
    %gather3A_322 = tpu.dynamic_gather %get3A_5[%gather3A_321] in [0] : vector<16xf32>, vector<16xi32> -> vector<16xf32>
    %swap3A_323 = arith.constant 496 : index
    %swap3A_324 = tpu.vector_load %arg8[%swap3A_323] {strides = array<i32>} : memref<1024xf32, #tpu.memory_space<vmem>>, vector<16xf32>,
    %swap3A_325 = vector.shape_cast %swap3A_324 : vector<16xf32> to vector<16xf32>
    %swap3A_326 = vector.shape_cast %gather3A_322 : vector<16xf32> to vector<16xf32>
    tpu.vector_store %arg8[%swap3A_323], %swap3A_326 {strides = array<i32>} : memref<1024xf32, #tpu.memory_space<vmem>>, vector<16xf32>,
    %get3A_327 = arith.constant 512 : index
    %get3A_328 = tpu.vector_load %arg6[%get3A_327] {strides = array<i32>} : memref<1024xi32, #tpu.memory_space<vmem>>, vector<16xi32>,
    %get3A_329 = vector.shape_cast %get3A_328 : vector<16xi32> to vector<16xi32>
    %reshape3A_330 = vector.shape_cast %get3A_329 : vector<16xi32> to vector<16x1xi32>
    %gather3A_331 = vector.shape_cast %reshape3A_330 : vector<16x1xi32> to vector<16xi32>
    %gather3A_332 = tpu.dynamic_gather %get3A_5[%gather3A_331] in [0] : vector<16xf32>, vector<16xi32> -> vector<16xf32>
    %swap3A_333 = arith.constant 512 : index
    %swap3A_334 = tpu.vector_load %arg8[%swap3A_333] {strides = array<i32>} : memref<1024xf32, #tpu.memory_space<vmem>>, vector<16xf32>,
    %swap3A_335 = vector.shape_cast %swap3A_334 : vector<16xf32> to vector<16xf32>
    %swap3A_336 = vector.shape_cast %gather3A_332 : vector<16xf32> to vector<16xf32>
    tpu.vector_store %arg8[%swap3A_333], %swap3A_336 {strides = array<i32>} : memref<1024xf32, #tpu.memory_space<vmem>>, vector<16xf32>,
    %get3A_337 = arith.constant 528 : index
    %get3A_338 = tpu.vector_load %arg6[%get3A_337] {strides = array<i32>} : memref<1024xi32, #tpu.memory_space<vmem>>, vector<16xi32>,
    %get3A_339 = vector.shape_cast %get3A_338 : vector<16xi32> to vector<16xi32>
    %reshape3A_340 = vector.shape_cast %get3A_339 : vector<16xi32> to vector<16x1xi32>
    %gather3A_341 = vector.shape_cast %reshape3A_340 : vector<16x1xi32> to vector<16xi32>
    %gather3A_342 = tpu.dynamic_gather %get3A_5[%gather3A_341] in [0] : vector<16xf32>, vector<16xi32> -> vector<16xf32>
    %swap3A_343 = arith.constant 528 : index
    %swap3A_344 = tpu.vector_load %arg8[%swap3A_343] {strides = array<i32>} : memref<1024xf32, #tpu.memory_space<vmem>>, vector<16xf32>,
    %swap3A_345 = vector.shape_cast %swap3A_344 : vector<16xf32> to vector<16xf32>
    %swap3A_346 = vector.shape_cast %gather3A_342 : vector<16xf32> to vector<16xf32>
    tpu.vector_store %arg8[%swap3A_343], %swap3A_346 {strides = array<i32>} : memref<1024xf32, #tpu.memory_space<vmem>>, vector<16xf32>,
    %get3A_347 = arith.constant 544 : index
    %get3A_348 = tpu.vector_load %arg6[%get3A_347] {strides = array<i32>} : memref<1024xi32, #tpu.memory_space<vmem>>, vector<16xi32>,
    %get3A_349 = vector.shape_cast %get3A_348 : vector<16xi32> to vector<16xi32>
    %reshape3A_350 = vector.shape_cast %get3A_349 : vector<16xi32> to vector<16x1xi32>
    %gather3A_351 = vector.shape_cast %reshape3A_350 : vector<16x1xi32> to vector<16xi32>
    %gather3A_352 = tpu.dynamic_gather %get3A_5[%gather3A_351] in [0] : vector<16xf32>, vector<16xi32> -> vector<16xf32>
    %swap3A_353 = arith.constant 544 : index
    %swap3A_354 = tpu.vector_load %arg8[%swap3A_353] {strides = array<i32>} : memref<1024xf32, #tpu.memory_space<vmem>>, vector<16xf32>,
    %swap3A_355 = vector.shape_cast %swap3A_354 : vector<16xf32> to vector<16xf32>
    %swap3A_356 = vector.shape_cast %gather3A_352 : vector<16xf32> to vector<16xf32>
    tpu.vector_store %arg8[%swap3A_353], %swap3A_356 {strides = array<i32>} : memref<1024xf32, #tpu.memory_space<vmem>>, vector<16xf32>,
    %get3A_357 = arith.constant 560 : index
    %get3A_358 = tpu.vector_load %arg6[%get3A_357] {strides = array<i32>} : memref<1024xi32, #tpu.memory_space<vmem>>, vector<16xi32>,
    %get3A_359 = vector.shape_cast %get3A_358 : vector<16xi32> to vector<16xi32>
    %reshape3A_360 = vector.shape_cast %get3A_359 : vector<16xi32> to vector<16x1xi32>
    %gather3A_361 = vector.shape_cast %reshape3A_360 : vector<16x1xi32> to vector<16xi32>
    %gather3A_362 = tpu.dynamic_gather %get3A_5[%gather3A_361] in [0] : vector<16xf32>, vector<16xi32> -> vector<16xf32>
    %swap3A_363 = arith.constant 560 : index
    %swap3A_364 = tpu.vector_load %arg8[%swap3A_363] {strides = array<i32>} : memref<1024xf32, #tpu.memory_space<vmem>>, vector<16xf32>,
    %swap3A_365 = vector.shape_cast %swap3A_364 : vector<16xf32> to vector<16xf32>
    %swap3A_366 = vector.shape_cast %gather3A_362 : vector<16xf32> to vector<16xf32>
    tpu.vector_store %arg8[%swap3A_363], %swap3A_366 {strides = array<i32>} : memref<1024xf32, #tpu.memory_space<vmem>>, vector<16xf32>,
    %get3A_367 = arith.constant 576 : index
    %get3A_368 = tpu.vector_load %arg6[%get3A_367] {strides = array<i32>} : memref<1024xi32, #tpu.memory_space<vmem>>, vector<16xi32>,
    %get3A_369 = vector.shape_cast %get3A_368 : vector<16xi32> to vector<16xi32>
    %reshape3A_370 = vector.shape_cast %get3A_369 : vector<16xi32> to vector<16x1xi32>
    %gather3A_371 = vector.shape_cast %reshape3A_370 : vector<16x1xi32> to vector<16xi32>
    %gather3A_372 = tpu.dynamic_gather %get3A_5[%gather3A_371] in [0] : vector<16xf32>, vector<16xi32> -> vector<16xf32>
    %swap3A_373 = arith.constant 576 : index
    %swap3A_374 = tpu.vector_load %arg8[%swap3A_373] {strides = array<i32>} : memref<1024xf32, #tpu.memory_space<vmem>>, vector<16xf32>,
    %swap3A_375 = vector.shape_cast %swap3A_374 : vector<16xf32> to vector<16xf32>
    %swap3A_376 = vector.shape_cast %gather3A_372 : vector<16xf32> to vector<16xf32>
    tpu.vector_store %arg8[%swap3A_373], %swap3A_376 {strides = array<i32>} : memref<1024xf32, #tpu.memory_space<vmem>>, vector<16xf32>,
    %get3A_377 = arith.constant 592 : index
    %get3A_378 = tpu.vector_load %arg6[%get3A_377] {strides = array<i32>} : memref<1024xi32, #tpu.memory_space<vmem>>, vector<16xi32>,
    %get3A_379 = vector.shape_cast %get3A_378 : vector<16xi32> to vector<16xi32>
    %reshape3A_380 = vector.shape_cast %get3A_379 : vector<16xi32> to vector<16x1xi32>
    %gather3A_381 = vector.shape_cast %reshape3A_380 : vector<16x1xi32> to vector<16xi32>
    %gather3A_382 = tpu.dynamic_gather %get3A_5[%gather3A_381] in [0] : vector<16xf32>, vector<16xi32> -> vector<16xf32>
    %swap3A_383 = arith.constant 592 : index
    %swap3A_384 = tpu.vector_load %arg8[%swap3A_383] {strides = array<i32>} : memref<1024xf32, #tpu.memory_space<vmem>>, vector<16xf32>,
    %swap3A_385 = vector.shape_cast %swap3A_384 : vector<16xf32> to vector<16xf32>
    %swap3A_386 = vector.shape_cast %gather3A_382 : vector<16xf32> to vector<16xf32>
    tpu.vector_store %arg8[%swap3A_383], %swap3A_386 {strides = array<i32>} : memref<1024xf32, #tpu.memory_space<vmem>>, vector<16xf32>,
    %get3A_387 = arith.constant 608 : index
    %get3A_388 = tpu.vector_load %arg6[%get3A_387] {strides = array<i32>} : memref<1024xi32, #tpu.memory_space<vmem>>, vector<16xi32>,
    %get3A_389 = vector.shape_cast %get3A_388 : vector<16xi32> to vector<16xi32>
    %reshape3A_390 = vector.shape_cast %get3A_389 : vector<16xi32> to vector<16x1xi32>
    %gather3A_391 = vector.shape_cast %reshape3A_390 : vector<16x1xi32> to vector<16xi32>
    %gather3A_392 = tpu.dynamic_gather %get3A_5[%gather3A_391] in [0] : vector<16xf32>, vector<16xi32> -> vector<16xf32>
    %swap3A_393 = arith.constant 608 : index
    %swap3A_394 = tpu.vector_load %arg8[%swap3A_393] {strides = array<i32>} : memref<1024xf32, #tpu.memory_space<vmem>>, vector<16xf32>,
    %swap3A_395 = vector.shape_cast %swap3A_394 : vector<16xf32> to vector<16xf32>
    %swap3A_396 = vector.shape_cast %gather3A_392 : vector<16xf32> to vector<16xf32>
    tpu.vector_store %arg8[%swap3A_393], %swap3A_396 {strides = array<i32>} : memref<1024xf32, #tpu.memory_space<vmem>>, vector<16xf32>,
    %get3A_397 = arith.constant 624 : index
    %get3A_398 = tpu.vector_load %arg6[%get3A_397] {strides = array<i32>} : memref<1024xi32, #tpu.memory_space<vmem>>, vector<16xi32>,
    %get3A_399 = vector.shape_cast %get3A_398 : vector<16xi32> to vector<16xi32>
    %reshape3A_400 = vector.shape_cast %get3A_399 : vector<16xi32> to vector<16x1xi32>
    %gather3A_401 = vector.shape_cast %reshape3A_400 : vector<16x1xi32> to vector<16xi32>
    %gather3A_402 = tpu.dynamic_gather %get3A_5[%gather3A_401] in [0] : vector<16xf32>, vector<16xi32> -> vector<16xf32>
    %swap3A_403 = arith.constant 624 : index
    %swap3A_404 = tpu.vector_load %arg8[%swap3A_403] {strides = array<i32>} : memref<1024xf32, #tpu.memory_space<vmem>>, vector<16xf32>,
    %swap3A_405 = vector.shape_cast %swap3A_404 : vector<16xf32> to vector<16xf32>
    %swap3A_406 = vector.shape_cast %gather3A_402 : vector<16xf32> to vector<16xf32>
    tpu.vector_store %arg8[%swap3A_403], %swap3A_406 {strides = array<i32>} : memref<1024xf32, #tpu.memory_space<vmem>>, vector<16xf32>,
    %get3A_407 = arith.constant 640 : index
    %get3A_408 = tpu.vector_load %arg6[%get3A_407] {strides = array<i32>} : memref<1024xi32, #tpu.memory_space<vmem>>, vector<16xi32>,
    %get3A_409 = vector.shape_cast %get3A_408 : vector<16xi32> to vector<16xi32>
    %reshape3A_410 = vector.shape_cast %get3A_409 : vector<16xi32> to vector<16x1xi32>
    %gather3A_411 = vector.shape_cast %reshape3A_410 : vector<16x1xi32> to vector<16xi32>
    %gather3A_412 = tpu.dynamic_gather %get3A_5[%gather3A_411] in [0] : vector<16xf32>, vector<16xi32> -> vector<16xf32>
    %swap3A_413 = arith.constant 640 : index
    %swap3A_414 = tpu.vector_load %arg8[%swap3A_413] {strides = array<i32>} : memref<1024xf32, #tpu.memory_space<vmem>>, vector<16xf32>,
    %swap3A_415 = vector.shape_cast %swap3A_414 : vector<16xf32> to vector<16xf32>
    %swap3A_416 = vector.shape_cast %gather3A_412 : vector<16xf32> to vector<16xf32>
    tpu.vector_store %arg8[%swap3A_413], %swap3A_416 {strides = array<i32>} : memref<1024xf32, #tpu.memory_space<vmem>>, vector<16xf32>,
    %get3A_417 = arith.constant 656 : index
    %get3A_418 = tpu.vector_load %arg6[%get3A_417] {strides = array<i32>} : memref<1024xi32, #tpu.memory_space<vmem>>, vector<16xi32>,
    %get3A_419 = vector.shape_cast %get3A_418 : vector<16xi32> to vector<16xi32>
    %reshape3A_420 = vector.shape_cast %get3A_419 : vector<16xi32> to vector<16x1xi32>
    %gather3A_421 = vector.shape_cast %reshape3A_420 : vector<16x1xi32> to vector<16xi32>
    %gather3A_422 = tpu.dynamic_gather %get3A_5[%gather3A_421] in [0] : vector<16xf32>, vector<16xi32> -> vector<16xf32>
    %swap3A_423 = arith.constant 656 : index
    %swap3A_424 = tpu.vector_load %arg8[%swap3A_423] {strides = array<i32>} : memref<1024xf32, #tpu.memory_space<vmem>>, vector<16xf32>,
    %swap3A_425 = vector.shape_cast %swap3A_424 : vector<16xf32> to vector<16xf32>
    %swap3A_426 = vector.shape_cast %gather3A_422 : vector<16xf32> to vector<16xf32>
    tpu.vector_store %arg8[%swap3A_423], %swap3A_426 {strides = array<i32>} : memref<1024xf32, #tpu.memory_space<vmem>>, vector<16xf32>,
    %get3A_427 = arith.constant 672 : index
    %get3A_428 = tpu.vector_load %arg6[%get3A_427] {strides = array<i32>} : memref<1024xi32, #tpu.memory_space<vmem>>, vector<16xi32>,
    %get3A_429 = vector.shape_cast %get3A_428 : vector<16xi32> to vector<16xi32>
    %reshape3A_430 = vector.shape_cast %get3A_429 : vector<16xi32> to vector<16x1xi32>
    %gather3A_431 = vector.shape_cast %reshape3A_430 : vector<16x1xi32> to vector<16xi32>
    %gather3A_432 = tpu.dynamic_gather %get3A_5[%gather3A_431] in [0] : vector<16xf32>, vector<16xi32> -> vector<16xf32>
    %swap3A_433 = arith.constant 672 : index
    %swap3A_434 = tpu.vector_load %arg8[%swap3A_433] {strides = array<i32>} : memref<1024xf32, #tpu.memory_space<vmem>>, vector<16xf32>,
    %swap3A_435 = vector.shape_cast %swap3A_434 : vector<16xf32> to vector<16xf32>
    %swap3A_436 = vector.shape_cast %gather3A_432 : vector<16xf32> to vector<16xf32>
    tpu.vector_store %arg8[%swap3A_433], %swap3A_436 {strides = array<i32>} : memref<1024xf32, #tpu.memory_space<vmem>>, vector<16xf32>,
    %get3A_437 = arith.constant 688 : index
    %get3A_438 = tpu.vector_load %arg6[%get3A_437] {strides = array<i32>} : memref<1024xi32, #tpu.memory_space<vmem>>, vector<16xi32>,
    %get3A_439 = vector.shape_cast %get3A_438 : vector<16xi32> to vector<16xi32>
    %reshape3A_440 = vector.shape_cast %get3A_439 : vector<16xi32> to vector<16x1xi32>
    %gather3A_441 = vector.shape_cast %reshape3A_440 : vector<16x1xi32> to vector<16xi32>
    %gather3A_442 = tpu.dynamic_gather %get3A_5[%gather3A_441] in [0] : vector<16xf32>, vector<16xi32> -> vector<16xf32>
    %swap3A_443 = arith.constant 688 : index
    %swap3A_444 = tpu.vector_load %arg8[%swap3A_443] {strides = array<i32>} : memref<1024xf32, #tpu.memory_space<vmem>>, vector<16xf32>,
    %swap3A_445 = vector.shape_cast %swap3A_444 : vector<16xf32> to vector<16xf32>
    %swap3A_446 = vector.shape_cast %gather3A_442 : vector<16xf32> to vector<16xf32>
    tpu.vector_store %arg8[%swap3A_443], %swap3A_446 {strides = array<i32>} : memref<1024xf32, #tpu.memory_space<vmem>>, vector<16xf32>,
    %get3A_447 = arith.constant 704 : index
    %get3A_448 = tpu.vector_load %arg6[%get3A_447] {strides = array<i32>} : memref<1024xi32, #tpu.memory_space<vmem>>, vector<16xi32>,
    %get3A_449 = vector.shape_cast %get3A_448 : vector<16xi32> to vector<16xi32>
    %reshape3A_450 = vector.shape_cast %get3A_449 : vector<16xi32> to vector<16x1xi32>
    %gather3A_451 = vector.shape_cast %reshape3A_450 : vector<16x1xi32> to vector<16xi32>
    %gather3A_452 = tpu.dynamic_gather %get3A_5[%gather3A_451] in [0] : vector<16xf32>, vector<16xi32> -> vector<16xf32>
    %swap3A_453 = arith.constant 704 : index
    %swap3A_454 = tpu.vector_load %arg8[%swap3A_453] {strides = array<i32>} : memref<1024xf32, #tpu.memory_space<vmem>>, vector<16xf32>,
    %swap3A_455 = vector.shape_cast %swap3A_454 : vector<16xf32> to vector<16xf32>
    %swap3A_456 = vector.shape_cast %gather3A_452 : vector<16xf32> to vector<16xf32>
    tpu.vector_store %arg8[%swap3A_453], %swap3A_456 {strides = array<i32>} : memref<1024xf32, #tpu.memory_space<vmem>>, vector<16xf32>,
    %get3A_457 = arith.constant 720 : index
    %get3A_458 = tpu.vector_load %arg6[%get3A_457] {strides = array<i32>} : memref<1024xi32, #tpu.memory_space<vmem>>, vector<16xi32>,
    %get3A_459 = vector.shape_cast %get3A_458 : vector<16xi32> to vector<16xi32>
    %reshape3A_460 = vector.shape_cast %get3A_459 : vector<16xi32> to vector<16x1xi32>
    %gather3A_461 = vector.shape_cast %reshape3A_460 : vector<16x1xi32> to vector<16xi32>
    %gather3A_462 = tpu.dynamic_gather %get3A_5[%gather3A_461] in [0] : vector<16xf32>, vector<16xi32> -> vector<16xf32>
    %swap3A_463 = arith.constant 720 : index
    %swap3A_464 = tpu.vector_load %arg8[%swap3A_463] {strides = array<i32>} : memref<1024xf32, #tpu.memory_space<vmem>>, vector<16xf32>,
    %swap3A_465 = vector.shape_cast %swap3A_464 : vector<16xf32> to vector<16xf32>
    %swap3A_466 = vector.shape_cast %gather3A_462 : vector<16xf32> to vector<16xf32>
    tpu.vector_store %arg8[%swap3A_463], %swap3A_466 {strides = array<i32>} : memref<1024xf32, #tpu.memory_space<vmem>>, vector<16xf32>,
    %get3A_467 = arith.constant 736 : index
    %get3A_468 = tpu.vector_load %arg6[%get3A_467] {strides = array<i32>} : memref<1024xi32, #tpu.memory_space<vmem>>, vector<16xi32>,
    %get3A_469 = vector.shape_cast %get3A_468 : vector<16xi32> to vector<16xi32>
    %reshape3A_470 = vector.shape_cast %get3A_469 : vector<16xi32> to vector<16x1xi32>
    %gather3A_471 = vector.shape_cast %reshape3A_470 : vector<16x1xi32> to vector<16xi32>
    %gather3A_472 = tpu.dynamic_gather %get3A_5[%gather3A_471] in [0] : vector<16xf32>, vector<16xi32> -> vector<16xf32>
    %swap3A_473 = arith.constant 736 : index
    %swap3A_474 = tpu.vector_load %arg8[%swap3A_473] {strides = array<i32>} : memref<1024xf32, #tpu.memory_space<vmem>>, vector<16xf32>,
    %swap3A_475 = vector.shape_cast %swap3A_474 : vector<16xf32> to vector<16xf32>
    %swap3A_476 = vector.shape_cast %gather3A_472 : vector<16xf32> to vector<16xf32>
    tpu.vector_store %arg8[%swap3A_473], %swap3A_476 {strides = array<i32>} : memref<1024xf32, #tpu.memory_space<vmem>>, vector<16xf32>,
    %get3A_477 = arith.constant 752 : index
    %get3A_478 = tpu.vector_load %arg6[%get3A_477] {strides = array<i32>} : memref<1024xi32, #tpu.memory_space<vmem>>, vector<16xi32>,
    %get3A_479 = vector.shape_cast %get3A_478 : vector<16xi32> to vector<16xi32>
    %reshape3A_480 = vector.shape_cast %get3A_479 : vector<16xi32> to vector<16x1xi32>
    %gather3A_481 = vector.shape_cast %reshape3A_480 : vector<16x1xi32> to vector<16xi32>
    %gather3A_482 = tpu.dynamic_gather %get3A_5[%gather3A_481] in [0] : vector<16xf32>, vector<16xi32> -> vector<16xf32>
    %swap3A_483 = arith.constant 752 : index
    %swap3A_484 = tpu.vector_load %arg8[%swap3A_483] {strides = array<i32>} : memref<1024xf32, #tpu.memory_space<vmem>>, vector<16xf32>,
    %swap3A_485 = vector.shape_cast %swap3A_484 : vector<16xf32> to vector<16xf32>
    %swap3A_486 = vector.shape_cast %gather3A_482 : vector<16xf32> to vector<16xf32>
    tpu.vector_store %arg8[%swap3A_483], %swap3A_486 {strides = array<i32>} : memref<1024xf32, #tpu.memory_space<vmem>>, vector<16xf32>,
    %get3A_487 = arith.constant 768 : index
    %get3A_488 = tpu.vector_load %arg6[%get3A_487] {strides = array<i32>} : memref<1024xi32, #tpu.memory_space<vmem>>, vector<16xi32>,
    %get3A_489 = vector.shape_cast %get3A_488 : vector<16xi32> to vector<16xi32>
    %reshape3A_490 = vector.shape_cast %get3A_489 : vector<16xi32> to vector<16x1xi32>
    %gather3A_491 = vector.shape_cast %reshape3A_490 : vector<16x1xi32> to vector<16xi32>
    %gather3A_492 = tpu.dynamic_gather %get3A_5[%gather3A_491] in [0] : vector<16xf32>, vector<16xi32> -> vector<16xf32>
    %swap3A_493 = arith.constant 768 : index
    %swap3A_494 = tpu.vector_load %arg8[%swap3A_493] {strides = array<i32>} : memref<1024xf32, #tpu.memory_space<vmem>>, vector<16xf32>,
    %swap3A_495 = vector.shape_cast %swap3A_494 : vector<16xf32> to vector<16xf32>
    %swap3A_496 = vector.shape_cast %gather3A_492 : vector<16xf32> to vector<16xf32>
    tpu.vector_store %arg8[%swap3A_493], %swap3A_496 {strides = array<i32>} : memref<1024xf32, #tpu.memory_space<vmem>>, vector<16xf32>,
    %get3A_497 = arith.constant 784 : index
    %get3A_498 = tpu.vector_load %arg6[%get3A_497] {strides = array<i32>} : memref<1024xi32, #tpu.memory_space<vmem>>, vector<16xi32>,
    %get3A_499 = vector.shape_cast %get3A_498 : vector<16xi32> to vector<16xi32>
    %reshape3A_500 = vector.shape_cast %get3A_499 : vector<16xi32> to vector<16x1xi32>
    %gather3A_501 = vector.shape_cast %reshape3A_500 : vector<16x1xi32> to vector<16xi32>
    %gather3A_502 = tpu.dynamic_gather %get3A_5[%gather3A_501] in [0] : vector<16xf32>, vector<16xi32> -> vector<16xf32>
    %swap3A_503 = arith.constant 784 : index
    %swap3A_504 = tpu.vector_load %arg8[%swap3A_503] {strides = array<i32>} : memref<1024xf32, #tpu.memory_space<vmem>>, vector<16xf32>,
    %swap3A_505 = vector.shape_cast %swap3A_504 : vector<16xf32> to vector<16xf32>
    %swap3A_506 = vector.shape_cast %gather3A_502 : vector<16xf32> to vector<16xf32>
    tpu.vector_store %arg8[%swap3A_503], %swap3A_506 {strides = array<i32>} : memref<1024xf32, #tpu.memory_space<vmem>>, vector<16xf32>,
    %get3A_507 = arith.constant 800 : index
    %get3A_508 = tpu.vector_load %arg6[%get3A_507] {strides = array<i32>} : memref<1024xi32, #tpu.memory_space<vmem>>, vector<16xi32>,
    %get3A_509 = vector.shape_cast %get3A_508 : vector<16xi32> to vector<16xi32>
    %reshape3A_510 = vector.shape_cast %get3A_509 : vector<16xi32> to vector<16x1xi32>
    %gather3A_511 = vector.shape_cast %reshape3A_510 : vector<16x1xi32> to vector<16xi32>
    %gather3A_512 = tpu.dynamic_gather %get3A_5[%gather3A_511] in [0] : vector<16xf32>, vector<16xi32> -> vector<16xf32>
    %swap3A_513 = arith.constant 800 : index
    %swap3A_514 = tpu.vector_load %arg8[%swap3A_513] {strides = array<i32>} : memref<1024xf32, #tpu.memory_space<vmem>>, vector<16xf32>,
    %swap3A_515 = vector.shape_cast %swap3A_514 : vector<16xf32> to vector<16xf32>
    %swap3A_516 = vector.shape_cast %gather3A_512 : vector<16xf32> to vector<16xf32>
    tpu.vector_store %arg8[%swap3A_513], %swap3A_516 {strides = array<i32>} : memref<1024xf32, #tpu.memory_space<vmem>>, vector<16xf32>,
    %get3A_517 = arith.constant 816 : index
    %get3A_518 = tpu.vector_load %arg6[%get3A_517] {strides = array<i32>} : memref<1024xi32, #tpu.memory_space<vmem>>, vector<16xi32>,
    %get3A_519 = vector.shape_cast %get3A_518 : vector<16xi32> to vector<16xi32>
    %reshape3A_520 = vector.shape_cast %get3A_519 : vector<16xi32> to vector<16x1xi32>
    %gather3A_521 = vector.shape_cast %reshape3A_520 : vector<16x1xi32> to vector<16xi32>
    %gather3A_522 = tpu.dynamic_gather %get3A_5[%gather3A_521] in [0] : vector<16xf32>, vector<16xi32> -> vector<16xf32>
    %swap3A_523 = arith.constant 816 : index
    %swap3A_524 = tpu.vector_load %arg8[%swap3A_523] {strides = array<i32>} : memref<1024xf32, #tpu.memory_space<vmem>>, vector<16xf32>,
    %swap3A_525 = vector.shape_cast %swap3A_524 : vector<16xf32> to vector<16xf32>
    %swap3A_526 = vector.shape_cast %gather3A_522 : vector<16xf32> to vector<16xf32>
    tpu.vector_store %arg8[%swap3A_523], %swap3A_526 {strides = array<i32>} : memref<1024xf32, #tpu.memory_space<vmem>>, vector<16xf32>,
    %get3A_527 = arith.constant 832 : index
    %get3A_528 = tpu.vector_load %arg6[%get3A_527] {strides = array<i32>} : memref<1024xi32, #tpu.memory_space<vmem>>, vector<16xi32>,
    %get3A_529 = vector.shape_cast %get3A_528 : vector<16xi32> to vector<16xi32>
    %reshape3A_530 = vector.shape_cast %get3A_529 : vector<16xi32> to vector<16x1xi32>
    %gather3A_531 = vector.shape_cast %reshape3A_530 : vector<16x1xi32> to vector<16xi32>
    %gather3A_532 = tpu.dynamic_gather %get3A_5[%gather3A_531] in [0] : vector<16xf32>, vector<16xi32> -> vector<16xf32>
    %swap3A_533 = arith.constant 832 : index
    %swap3A_534 = tpu.vector_load %arg8[%swap3A_533] {strides = array<i32>} : memref<1024xf32, #tpu.memory_space<vmem>>, vector<16xf32>,
    %swap3A_535 = vector.shape_cast %swap3A_534 : vector<16xf32> to vector<16xf32>
    %swap3A_536 = vector.shape_cast %gather3A_532 : vector<16xf32> to vector<16xf32>
    tpu.vector_store %arg8[%swap3A_533], %swap3A_536 {strides = array<i32>} : memref<1024xf32, #tpu.memory_space<vmem>>, vector<16xf32>,
    %get3A_537 = arith.constant 848 : index
    %get3A_538 = tpu.vector_load %arg6[%get3A_537] {strides = array<i32>} : memref<1024xi32, #tpu.memory_space<vmem>>, vector<16xi32>,
    %get3A_539 = vector.shape_cast %get3A_538 : vector<16xi32> to vector<16xi32>
    %reshape3A_540 = vector.shape_cast %get3A_539 : vector<16xi32> to vector<16x1xi32>
    %gather3A_541 = vector.shape_cast %reshape3A_540 : vector<16x1xi32> to vector<16xi32>
    %gather3A_542 = tpu.dynamic_gather %get3A_5[%gather3A_541] in [0] : vector<16xf32>, vector<16xi32> -> vector<16xf32>
    %swap3A_543 = arith.constant 848 : index
    %swap3A_544 = tpu.vector_load %arg8[%swap3A_543] {strides = array<i32>} : memref<1024xf32, #tpu.memory_space<vmem>>, vector<16xf32>,
    %swap3A_545 = vector.shape_cast %swap3A_544 : vector<16xf32> to vector<16xf32>
    %swap3A_546 = vector.shape_cast %gather3A_542 : vector<16xf32> to vector<16xf32>
    tpu.vector_store %arg8[%swap3A_543], %swap3A_546 {strides = array<i32>} : memref<1024xf32, #tpu.memory_space<vmem>>, vector<16xf32>,
    %get3A_547 = arith.constant 864 : index
    %get3A_548 = tpu.vector_load %arg6[%get3A_547] {strides = array<i32>} : memref<1024xi32, #tpu.memory_space<vmem>>, vector<16xi32>,
    %get3A_549 = vector.shape_cast %get3A_548 : vector<16xi32> to vector<16xi32>
    %reshape3A_550 = vector.shape_cast %get3A_549 : vector<16xi32> to vector<16x1xi32>
    %gather3A_551 = vector.shape_cast %reshape3A_550 : vector<16x1xi32> to vector<16xi32>
    %gather3A_552 = tpu.dynamic_gather %get3A_5[%gather3A_551] in [0] : vector<16xf32>, vector<16xi32> -> vector<16xf32>
    %swap3A_553 = arith.constant 864 : index
    %swap3A_554 = tpu.vector_load %arg8[%swap3A_553] {strides = array<i32>} : memref<1024xf32, #tpu.memory_space<vmem>>, vector<16xf32>,
    %swap3A_555 = vector.shape_cast %swap3A_554 : vector<16xf32> to vector<16xf32>
    %swap3A_556 = vector.shape_cast %gather3A_552 : vector<16xf32> to vector<16xf32>
    tpu.vector_store %arg8[%swap3A_553], %swap3A_556 {strides = array<i32>} : memref<1024xf32, #tpu.memory_space<vmem>>, vector<16xf32>,
    %get3A_557 = arith.constant 880 : index
    %get3A_558 = tpu.vector_load %arg6[%get3A_557] {strides = array<i32>} : memref<1024xi32, #tpu.memory_space<vmem>>, vector<16xi32>,
    %get3A_559 = vector.shape_cast %get3A_558 : vector<16xi32> to vector<16xi32>
    %reshape3A_560 = vector.shape_cast %get3A_559 : vector<16xi32> to vector<16x1xi32>
    %gather3A_561 = vector.shape_cast %reshape3A_560 : vector<16x1xi32> to vector<16xi32>
    %gather3A_562 = tpu.dynamic_gather %get3A_5[%gather3A_561] in [0] : vector<16xf32>, vector<16xi32> -> vector<16xf32>
    %swap3A_563 = arith.constant 880 : index
    %swap3A_564 = tpu.vector_load %arg8[%swap3A_563] {strides = array<i32>} : memref<1024xf32, #tpu.memory_space<vmem>>, vector<16xf32>,
    %swap3A_565 = vector.shape_cast %swap3A_564 : vector<16xf32> to vector<16xf32>
    %swap3A_566 = vector.shape_cast %gather3A_562 : vector<16xf32> to vector<16xf32>
    tpu.vector_store %arg8[%swap3A_563], %swap3A_566 {strides = array<i32>} : memref<1024xf32, #tpu.memory_space<vmem>>, vector<16xf32>,
    %get3A_567 = arith.constant 896 : index
    %get3A_568 = tpu.vector_load %arg6[%get3A_567] {strides = array<i32>} : memref<1024xi32, #tpu.memory_space<vmem>>, vector<16xi32>,
    %get3A_569 = vector.shape_cast %get3A_568 : vector<16xi32> to vector<16xi32>
    %reshape3A_570 = vector.shape_cast %get3A_569 : vector<16xi32> to vector<16x1xi32>
    %gather3A_571 = vector.shape_cast %reshape3A_570 : vector<16x1xi32> to vector<16xi32>
    %gather3A_572 = tpu.dynamic_gather %get3A_5[%gather3A_571] in [0] : vector<16xf32>, vector<16xi32> -> vector<16xf32>
    %swap3A_573 = arith.constant 896 : index
    %swap3A_574 = tpu.vector_load %arg8[%swap3A_573] {strides = array<i32>} : memref<1024xf32, #tpu.memory_space<vmem>>, vector<16xf32>,
    %swap3A_575 = vector.shape_cast %swap3A_574 : vector<16xf32> to vector<16xf32>
    %swap3A_576 = vector.shape_cast %gather3A_572 : vector<16xf32> to vector<16xf32>
    tpu.vector_store %arg8[%swap3A_573], %swap3A_576 {strides = array<i32>} : memref<1024xf32, #tpu.memory_space<vmem>>, vector<16xf32>,
    %get3A_577 = arith.constant 912 : index
    %get3A_578 = tpu.vector_load %arg6[%get3A_577] {strides = array<i32>} : memref<1024xi32, #tpu.memory_space<vmem>>, vector<16xi32>,
    %get3A_579 = vector.shape_cast %get3A_578 : vector<16xi32> to vector<16xi32>
    %reshape3A_580 = vector.shape_cast %get3A_579 : vector<16xi32> to vector<16x1xi32>
    %gather3A_581 = vector.shape_cast %reshape3A_580 : vector<16x1xi32> to vector<16xi32>
    %gather3A_582 = tpu.dynamic_gather %get3A_5[%gather3A_581] in [0] : vector<16xf32>, vector<16xi32> -> vector<16xf32>
    %swap3A_583 = arith.constant 912 : index
    %swap3A_584 = tpu.vector_load %arg8[%swap3A_583] {strides = array<i32>} : memref<1024xf32, #tpu.memory_space<vmem>>, vector<16xf32>,
    %swap3A_585 = vector.shape_cast %swap3A_584 : vector<16xf32> to vector<16xf32>
    %swap3A_586 = vector.shape_cast %gather3A_582 : vector<16xf32> to vector<16xf32>
    tpu.vector_store %arg8[%swap3A_583], %swap3A_586 {strides = array<i32>} : memref<1024xf32, #tpu.memory_space<vmem>>, vector<16xf32>,
    %get3A_587 = arith.constant 928 : index
    %get3A_588 = tpu.vector_load %arg6[%get3A_587] {strides = array<i32>} : memref<1024xi32, #tpu.memory_space<vmem>>, vector<16xi32>,
    %get3A_589 = vector.shape_cast %get3A_588 : vector<16xi32> to vector<16xi32>
    %reshape3A_590 = vector.shape_cast %get3A_589 : vector<16xi32> to vector<16x1xi32>
    %gather3A_591 = vector.shape_cast %reshape3A_590 : vector<16x1xi32> to vector<16xi32>
    %gather3A_592 = tpu.dynamic_gather %get3A_5[%gather3A_591] in [0] : vector<16xf32>, vector<16xi32> -> vector<16xf32>
    %swap3A_593 = arith.constant 928 : index
    %swap3A_594 = tpu.vector_load %arg8[%swap3A_593] {strides = array<i32>} : memref<1024xf32, #tpu.memory_space<vmem>>, vector<16xf32>,
    %swap3A_595 = vector.shape_cast %swap3A_594 : vector<16xf32> to vector<16xf32>
    %swap3A_596 = vector.shape_cast %gather3A_592 : vector<16xf32> to vector<16xf32>
    tpu.vector_store %arg8[%swap3A_593], %swap3A_596 {strides = array<i32>} : memref<1024xf32, #tpu.memory_space<vmem>>, vector<16xf32>,
    %get3A_597 = arith.constant 944 : index
    %get3A_598 = tpu.vector_load %arg6[%get3A_597] {strides = array<i32>} : memref<1024xi32, #tpu.memory_space<vmem>>, vector<16xi32>,
    %get3A_599 = vector.shape_cast %get3A_598 : vector<16xi32> to vector<16xi32>
    %reshape3A_600 = vector.shape_cast %get3A_599 : vector<16xi32> to vector<16x1xi32>
    %gather3A_601 = vector.shape_cast %reshape3A_600 : vector<16x1xi32> to vector<16xi32>
    %gather3A_602 = tpu.dynamic_gather %get3A_5[%gather3A_601] in [0] : vector<16xf32>, vector<16xi32> -> vector<16xf32>
    %swap3A_603 = arith.constant 944 : index
    %swap3A_604 = tpu.vector_load %arg8[%swap3A_603] {strides = array<i32>} : memref<1024xf32, #tpu.memory_space<vmem>>, vector<16xf32>,
    %swap3A_605 = vector.shape_cast %swap3A_604 : vector<16xf32> to vector<16xf32>
    %swap3A_606 = vector.shape_cast %gather3A_602 : vector<16xf32> to vector<16xf32>
    tpu.vector_store %arg8[%swap3A_603], %swap3A_606 {strides = array<i32>} : memref<1024xf32, #tpu.memory_space<vmem>>, vector<16xf32>,
    %get3A_607 = arith.constant 960 : index
    %get3A_608 = tpu.vector_load %arg6[%get3A_607] {strides = array<i32>} : memref<1024xi32, #tpu.memory_space<vmem>>, vector<16xi32>,
    %get3A_609 = vector.shape_cast %get3A_608 : vector<16xi32> to vector<16xi32>
    %reshape3A_610 = vector.shape_cast %get3A_609 : vector<16xi32> to vector<16x1xi32>
    %gather3A_611 = vector.shape_cast %reshape3A_610 : vector<16x1xi32> to vector<16xi32>
    %gather3A_612 = tpu.dynamic_gather %get3A_5[%gather3A_611] in [0] : vector<16xf32>, vector<16xi32> -> vector<16xf32>
    %swap3A_613 = arith.constant 960 : index
    %swap3A_614 = tpu.vector_load %arg8[%swap3A_613] {strides = array<i32>} : memref<1024xf32, #tpu.memory_space<vmem>>, vector<16xf32>,
    %swap3A_615 = vector.shape_cast %swap3A_614 : vector<16xf32> to vector<16xf32>
    %swap3A_616 = vector.shape_cast %gather3A_612 : vector<16xf32> to vector<16xf32>
    tpu.vector_store %arg8[%swap3A_613], %swap3A_616 {strides = array<i32>} : memref<1024xf32, #tpu.memory_space<vmem>>, vector<16xf32>,
    %get3A_617 = arith.constant 976 : index
    %get3A_618 = tpu.vector_load %arg6[%get3A_617] {strides = array<i32>} : memref<1024xi32, #tpu.memory_space<vmem>>, vector<16xi32>,
    %get3A_619 = vector.shape_cast %get3A_618 : vector<16xi32> to vector<16xi32>
    %reshape3A_620 = vector.shape_cast %get3A_619 : vector<16xi32> to vector<16x1xi32>
    %gather3A_621 = vector.shape_cast %reshape3A_620 : vector<16x1xi32> to vector<16xi32>
    %gather3A_622 = tpu.dynamic_gather %get3A_5[%gather3A_621] in [0] : vector<16xf32>, vector<16xi32> -> vector<16xf32>
    %swap3A_623 = arith.constant 976 : index
    %swap3A_624 = tpu.vector_load %arg8[%swap3A_623] {strides = array<i32>} : memref<1024xf32, #tpu.memory_space<vmem>>, vector<16xf32>,
    %swap3A_625 = vector.shape_cast %swap3A_624 : vector<16xf32> to vector<16xf32>
    %swap3A_626 = vector.shape_cast %gather3A_622 : vector<16xf32> to vector<16xf32>
    tpu.vector_store %arg8[%swap3A_623], %swap3A_626 {strides = array<i32>} : memref<1024xf32, #tpu.memory_space<vmem>>, vector<16xf32>,
    %get3A_627 = arith.constant 992 : index
    %get3A_628 = tpu.vector_load %arg6[%get3A_627] {strides = array<i32>} : memref<1024xi32, #tpu.memory_space<vmem>>, vector<16xi32>,
    %get3A_629 = vector.shape_cast %get3A_628 : vector<16xi32> to vector<16xi32>
    %reshape3A_630 = vector.shape_cast %get3A_629 : vector<16xi32> to vector<16x1xi32>
    %gather3A_631 = vector.shape_cast %reshape3A_630 : vector<16x1xi32> to vector<16xi32>
    %gather3A_632 = tpu.dynamic_gather %get3A_5[%gather3A_631] in [0] : vector<16xf32>, vector<16xi32> -> vector<16xf32>
    %swap3A_633 = arith.constant 992 : index
    %swap3A_634 = tpu.vector_load %arg8[%swap3A_633] {strides = array<i32>} : memref<1024xf32, #tpu.memory_space<vmem>>, vector<16xf32>,
    %swap3A_635 = vector.shape_cast %swap3A_634 : vector<16xf32> to vector<16xf32>
    %swap3A_636 = vector.shape_cast %gather3A_632 : vector<16xf32> to vector<16xf32>
    tpu.vector_store %arg8[%swap3A_633], %swap3A_636 {strides = array<i32>} : memref<1024xf32, #tpu.memory_space<vmem>>, vector<16xf32>,
    %get3A_637 = arith.constant 1008 : index
    %get3A_638 = tpu.vector_load %arg6[%get3A_637] {strides = array<i32>} : memref<1024xi32, #tpu.memory_space<vmem>>, vector<16xi32>,
    %get3A_639 = vector.shape_cast %get3A_638 : vector<16xi32> to vector<16xi32>
    %reshape3A_640 = vector.shape_cast %get3A_639 : vector<16xi32> to vector<16x1xi32>
    %gather3A_641 = vector.shape_cast %reshape3A_640 : vector<16x1xi32> to vector<16xi32>
    %gather3A_642 = tpu.dynamic_gather %get3A_5[%gather3A_641] in [0] : vector<16xf32>, vector<16xi32> -> vector<16xf32>
    %swap3A_643 = arith.constant 1008 : index
    %swap3A_644 = tpu.vector_load %arg8[%swap3A_643] {strides = array<i32>} : memref<1024xf32, #tpu.memory_space<vmem>>, vector<16xf32>,
    %swap3A_645 = vector.shape_cast %swap3A_644 : vector<16xf32> to vector<16xf32>
    %swap3A_646 = vector.shape_cast %gather3A_642 : vector<16xf32> to vector<16xf32>
    tpu.vector_store %arg8[%swap3A_643], %swap3A_646 {strides = array<i32>} : memref<1024xf32, #tpu.memory_space<vmem>>, vector<16xf32>,
    %dma_start3A_647 = tpu.memref_slice %arg4[%mul3A_2] : memref<16384xf32, #tpu.memory_space<hbm>> -> memref<1024xf32, #tpu.memory_space<hbm>>
    %dma_start3A_648 = tpu.memref_slice %arg4[%mul3A_2] : memref<16384xf32, #tpu.memory_space<hbm>> -> memref<1024xf32, #tpu.memory_space<hbm>>
    tpu.enqueue_dma source(%arg8 : memref<1024xf32, #tpu.memory_space<vmem>>) target(%dma_start3A_648 : memref<1024xf32, #tpu.memory_space<hbm>>) target_semaphore(%arg11 : memref<!tpu.dma_semaphore, #tpu.memory_space<semaphore_mem>>)
    %get3A_649 = arith.constant 0 : index
    %get3A_650 = tpu.vector_load %arg6[%get3A_649] {strides = array<i32>} : memref<1024xi32, #tpu.memory_space<vmem>>, vector<16xi32>,
    %get3A_651 = vector.shape_cast %get3A_650 : vector<16xi32> to vector<16xi32>
    %reshape3A_652 = vector.shape_cast %get3A_651 : vector<16xi32> to vector<16x1xi32>
    %gather3A_653 = vector.shape_cast %reshape3A_652 : vector<16x1xi32> to vector<16xi32>
    %gather3A_654 = tpu.dynamic_gather %get3A_8[%gather3A_653] in [0] : vector<16xf32>, vector<16xi32> -> vector<16xf32>
    %swap3A_655 = arith.constant 0 : index
    %swap3A_656 = tpu.vector_load %arg9[%swap3A_655] {strides = array<i32>} : memref<1024xf32, #tpu.memory_space<vmem>>, vector<16xf32>,
    %swap3A_657 = vector.shape_cast %swap3A_656 : vector<16xf32> to vector<16xf32>
    %swap3A_658 = vector.shape_cast %gather3A_654 : vector<16xf32> to vector<16xf32>
    tpu.vector_store %arg9[%swap3A_655], %swap3A_658 {strides = array<i32>} : memref<1024xf32, #tpu.memory_space<vmem>>, vector<16xf32>,
    %get3A_659 = arith.constant 16 : index
    %get3A_660 = tpu.vector_load %arg6[%get3A_659] {strides = array<i32>} : memref<1024xi32, #tpu.memory_space<vmem>>, vector<16xi32>,
    %get3A_661 = vector.shape_cast %get3A_660 : vector<16xi32> to vector<16xi32>
    %reshape3A_662 = vector.shape_cast %get3A_661 : vector<16xi32> to vector<16x1xi32>
    %gather3A_663 = vector.shape_cast %reshape3A_662 : vector<16x1xi32> to vector<16xi32>
    %gather3A_664 = tpu.dynamic_gather %get3A_8[%gather3A_663] in [0] : vector<16xf32>, vector<16xi32> -> vector<16xf32>
    %swap3A_665 = arith.constant 16 : index
    %swap3A_666 = tpu.vector_load %arg9[%swap3A_665] {strides = array<i32>} : memref<1024xf32, #tpu.memory_space<vmem>>, vector<16xf32>,
    %swap3A_667 = vector.shape_cast %swap3A_666 : vector<16xf32> to vector<16xf32>
    %swap3A_668 = vector.shape_cast %gather3A_664 : vector<16xf32> to vector<16xf32>
    tpu.vector_store %arg9[%swap3A_665], %swap3A_668 {strides = array<i32>} : memref<1024xf32, #tpu.memory_space<vmem>>, vector<16xf32>,
    %get3A_669 = arith.constant 32 : index
    %get3A_670 = tpu.vector_load %arg6[%get3A_669] {strides = array<i32>} : memref<1024xi32, #tpu.memory_space<vmem>>, vector<16xi32>,
    %get3A_671 = vector.shape_cast %get3A_670 : vector<16xi32> to vector<16xi32>
    %reshape3A_672 = vector.shape_cast %get3A_671 : vector<16xi32> to vector<16x1xi32>
    %gather3A_673 = vector.shape_cast %reshape3A_672 : vector<16x1xi32> to vector<16xi32>
    %gather3A_674 = tpu.dynamic_gather %get3A_8[%gather3A_673] in [0] : vector<16xf32>, vector<16xi32> -> vector<16xf32>
    %swap3A_675 = arith.constant 32 : index
    %swap3A_676 = tpu.vector_load %arg9[%swap3A_675] {strides = array<i32>} : memref<1024xf32, #tpu.memory_space<vmem>>, vector<16xf32>,
    %swap3A_677 = vector.shape_cast %swap3A_676 : vector<16xf32> to vector<16xf32>
    %swap3A_678 = vector.shape_cast %gather3A_674 : vector<16xf32> to vector<16xf32>
    tpu.vector_store %arg9[%swap3A_675], %swap3A_678 {strides = array<i32>} : memref<1024xf32, #tpu.memory_space<vmem>>, vector<16xf32>,
    %get3A_679 = arith.constant 48 : index
    %get3A_680 = tpu.vector_load %arg6[%get3A_679] {strides = array<i32>} : memref<1024xi32, #tpu.memory_space<vmem>>, vector<16xi32>,
    %get3A_681 = vector.shape_cast %get3A_680 : vector<16xi32> to vector<16xi32>
    %reshape3A_682 = vector.shape_cast %get3A_681 : vector<16xi32> to vector<16x1xi32>
    %gather3A_683 = vector.shape_cast %reshape3A_682 : vector<16x1xi32> to vector<16xi32>
    %gather3A_684 = tpu.dynamic_gather %get3A_8[%gather3A_683] in [0] : vector<16xf32>, vector<16xi32> -> vector<16xf32>
    %swap3A_685 = arith.constant 48 : index
    %swap3A_686 = tpu.vector_load %arg9[%swap3A_685] {strides = array<i32>} : memref<1024xf32, #tpu.memory_space<vmem>>, vector<16xf32>,
    %swap3A_687 = vector.shape_cast %swap3A_686 : vector<16xf32> to vector<16xf32>
    %swap3A_688 = vector.shape_cast %gather3A_684 : vector<16xf32> to vector<16xf32>
    tpu.vector_store %arg9[%swap3A_685], %swap3A_688 {strides = array<i32>} : memref<1024xf32, #tpu.memory_space<vmem>>, vector<16xf32>,
    %get3A_689 = arith.constant 64 : index
    %get3A_690 = tpu.vector_load %arg6[%get3A_689] {strides = array<i32>} : memref<1024xi32, #tpu.memory_space<vmem>>, vector<16xi32>,
    %get3A_691 = vector.shape_cast %get3A_690 : vector<16xi32> to vector<16xi32>
    %reshape3A_692 = vector.shape_cast %get3A_691 : vector<16xi32> to vector<16x1xi32>
    %gather3A_693 = vector.shape_cast %reshape3A_692 : vector<16x1xi32> to vector<16xi32>
    %gather3A_694 = tpu.dynamic_gather %get3A_8[%gather3A_693] in [0] : vector<16xf32>, vector<16xi32> -> vector<16xf32>
    %swap3A_695 = arith.constant 64 : index
    %swap3A_696 = tpu.vector_load %arg9[%swap3A_695] {strides = array<i32>} : memref<1024xf32, #tpu.memory_space<vmem>>, vector<16xf32>,
    %swap3A_697 = vector.shape_cast %swap3A_696 : vector<16xf32> to vector<16xf32>
    %swap3A_698 = vector.shape_cast %gather3A_694 : vector<16xf32> to vector<16xf32>
    tpu.vector_store %arg9[%swap3A_695], %swap3A_698 {strides = array<i32>} : memref<1024xf32, #tpu.memory_space<vmem>>, vector<16xf32>,
    %get3A_699 = arith.constant 80 : index
    %get3A_700 = tpu.vector_load %arg6[%get3A_699] {strides = array<i32>} : memref<1024xi32, #tpu.memory_space<vmem>>, vector<16xi32>,
    %get3A_701 = vector.shape_cast %get3A_700 : vector<16xi32> to vector<16xi32>
    %reshape3A_702 = vector.shape_cast %get3A_701 : vector<16xi32> to vector<16x1xi32>
    %gather3A_703 = vector.shape_cast %reshape3A_702 : vector<16x1xi32> to vector<16xi32>
    %gather3A_704 = tpu.dynamic_gather %get3A_8[%gather3A_703] in [0] : vector<16xf32>, vector<16xi32> -> vector<16xf32>
    %swap3A_705 = arith.constant 80 : index
    %swap3A_706 = tpu.vector_load %arg9[%swap3A_705] {strides = array<i32>} : memref<1024xf32, #tpu.memory_space<vmem>>, vector<16xf32>,
    %swap3A_707 = vector.shape_cast %swap3A_706 : vector<16xf32> to vector<16xf32>
    %swap3A_708 = vector.shape_cast %gather3A_704 : vector<16xf32> to vector<16xf32>
    tpu.vector_store %arg9[%swap3A_705], %swap3A_708 {strides = array<i32>} : memref<1024xf32, #tpu.memory_space<vmem>>, vector<16xf32>,
    %get3A_709 = arith.constant 96 : index
    %get3A_710 = tpu.vector_load %arg6[%get3A_709] {strides = array<i32>} : memref<1024xi32, #tpu.memory_space<vmem>>, vector<16xi32>,
    %get3A_711 = vector.shape_cast %get3A_710 : vector<16xi32> to vector<16xi32>
    %reshape3A_712 = vector.shape_cast %get3A_711 : vector<16xi32> to vector<16x1xi32>
    %gather3A_713 = vector.shape_cast %reshape3A_712 : vector<16x1xi32> to vector<16xi32>
    %gather3A_714 = tpu.dynamic_gather %get3A_8[%gather3A_713] in [0] : vector<16xf32>, vector<16xi32> -> vector<16xf32>
    %swap3A_715 = arith.constant 96 : index
    %swap3A_716 = tpu.vector_load %arg9[%swap3A_715] {strides = array<i32>} : memref<1024xf32, #tpu.memory_space<vmem>>, vector<16xf32>,
    %swap3A_717 = vector.shape_cast %swap3A_716 : vector<16xf32> to vector<16xf32>
    %swap3A_718 = vector.shape_cast %gather3A_714 : vector<16xf32> to vector<16xf32>
    tpu.vector_store %arg9[%swap3A_715], %swap3A_718 {strides = array<i32>} : memref<1024xf32, #tpu.memory_space<vmem>>, vector<16xf32>,
    %get3A_719 = arith.constant 112 : index
    %get3A_720 = tpu.vector_load %arg6[%get3A_719] {strides = array<i32>} : memref<1024xi32, #tpu.memory_space<vmem>>, vector<16xi32>,
    %get3A_721 = vector.shape_cast %get3A_720 : vector<16xi32> to vector<16xi32>
    %reshape3A_722 = vector.shape_cast %get3A_721 : vector<16xi32> to vector<16x1xi32>
    %gather3A_723 = vector.shape_cast %reshape3A_722 : vector<16x1xi32> to vector<16xi32>
    %gather3A_724 = tpu.dynamic_gather %get3A_8[%gather3A_723] in [0] : vector<16xf32>, vector<16xi32> -> vector<16xf32>
    %swap3A_725 = arith.constant 112 : index
    %swap3A_726 = tpu.vector_load %arg9[%swap3A_725] {strides = array<i32>} : memref<1024xf32, #tpu.memory_space<vmem>>, vector<16xf32>,
    %swap3A_727 = vector.shape_cast %swap3A_726 : vector<16xf32> to vector<16xf32>
    %swap3A_728 = vector.shape_cast %gather3A_724 : vector<16xf32> to vector<16xf32>
    tpu.vector_store %arg9[%swap3A_725], %swap3A_728 {strides = array<i32>} : memref<1024xf32, #tpu.memory_space<vmem>>, vector<16xf32>,
    %get3A_729 = arith.constant 128 : index
    %get3A_730 = tpu.vector_load %arg6[%get3A_729] {strides = array<i32>} : memref<1024xi32, #tpu.memory_space<vmem>>, vector<16xi32>,
    %get3A_731 = vector.shape_cast %get3A_730 : vector<16xi32> to vector<16xi32>
    %reshape3A_732 = vector.shape_cast %get3A_731 : vector<16xi32> to vector<16x1xi32>
    %gather3A_733 = vector.shape_cast %reshape3A_732 : vector<16x1xi32> to vector<16xi32>
    %gather3A_734 = tpu.dynamic_gather %get3A_8[%gather3A_733] in [0] : vector<16xf32>, vector<16xi32> -> vector<16xf32>
    %swap3A_735 = arith.constant 128 : index
    %swap3A_736 = tpu.vector_load %arg9[%swap3A_735] {strides = array<i32>} : memref<1024xf32, #tpu.memory_space<vmem>>, vector<16xf32>,
    %swap3A_737 = vector.shape_cast %swap3A_736 : vector<16xf32> to vector<16xf32>
    %swap3A_738 = vector.shape_cast %gather3A_734 : vector<16xf32> to vector<16xf32>
    tpu.vector_store %arg9[%swap3A_735], %swap3A_738 {strides = array<i32>} : memref<1024xf32, #tpu.memory_space<vmem>>, vector<16xf32>,
    %get3A_739 = arith.constant 144 : index
    %get3A_740 = tpu.vector_load %arg6[%get3A_739] {strides = array<i32>} : memref<1024xi32, #tpu.memory_space<vmem>>, vector<16xi32>,
    %get3A_741 = vector.shape_cast %get3A_740 : vector<16xi32> to vector<16xi32>
    %reshape3A_742 = vector.shape_cast %get3A_741 : vector<16xi32> to vector<16x1xi32>
    %gather3A_743 = vector.shape_cast %reshape3A_742 : vector<16x1xi32> to vector<16xi32>
    %gather3A_744 = tpu.dynamic_gather %get3A_8[%gather3A_743] in [0] : vector<16xf32>, vector<16xi32> -> vector<16xf32>
    %swap3A_745 = arith.constant 144 : index
    %swap3A_746 = tpu.vector_load %arg9[%swap3A_745] {strides = array<i32>} : memref<1024xf32, #tpu.memory_space<vmem>>, vector<16xf32>,
    %swap3A_747 = vector.shape_cast %swap3A_746 : vector<16xf32> to vector<16xf32>
    %swap3A_748 = vector.shape_cast %gather3A_744 : vector<16xf32> to vector<16xf32>
    tpu.vector_store %arg9[%swap3A_745], %swap3A_748 {strides = array<i32>} : memref<1024xf32, #tpu.memory_space<vmem>>, vector<16xf32>,
    %get3A_749 = arith.constant 160 : index
    %get3A_750 = tpu.vector_load %arg6[%get3A_749] {strides = array<i32>} : memref<1024xi32, #tpu.memory_space<vmem>>, vector<16xi32>,
    %get3A_751 = vector.shape_cast %get3A_750 : vector<16xi32> to vector<16xi32>
    %reshape3A_752 = vector.shape_cast %get3A_751 : vector<16xi32> to vector<16x1xi32>
    %gather3A_753 = vector.shape_cast %reshape3A_752 : vector<16x1xi32> to vector<16xi32>
    %gather3A_754 = tpu.dynamic_gather %get3A_8[%gather3A_753] in [0] : vector<16xf32>, vector<16xi32> -> vector<16xf32>
    %swap3A_755 = arith.constant 160 : index
    %swap3A_756 = tpu.vector_load %arg9[%swap3A_755] {strides = array<i32>} : memref<1024xf32, #tpu.memory_space<vmem>>, vector<16xf32>,
    %swap3A_757 = vector.shape_cast %swap3A_756 : vector<16xf32> to vector<16xf32>
    %swap3A_758 = vector.shape_cast %gather3A_754 : vector<16xf32> to vector<16xf32>
    tpu.vector_store %arg9[%swap3A_755], %swap3A_758 {strides = array<i32>} : memref<1024xf32, #tpu.memory_space<vmem>>, vector<16xf32>,
    %get3A_759 = arith.constant 176 : index
    %get3A_760 = tpu.vector_load %arg6[%get3A_759] {strides = array<i32>} : memref<1024xi32, #tpu.memory_space<vmem>>, vector<16xi32>,
    %get3A_761 = vector.shape_cast %get3A_760 : vector<16xi32> to vector<16xi32>
    %reshape3A_762 = vector.shape_cast %get3A_761 : vector<16xi32> to vector<16x1xi32>
    %gather3A_763 = vector.shape_cast %reshape3A_762 : vector<16x1xi32> to vector<16xi32>
    %gather3A_764 = tpu.dynamic_gather %get3A_8[%gather3A_763] in [0] : vector<16xf32>, vector<16xi32> -> vector<16xf32>
    %swap3A_765 = arith.constant 176 : index
    %swap3A_766 = tpu.vector_load %arg9[%swap3A_765] {strides = array<i32>} : memref<1024xf32, #tpu.memory_space<vmem>>, vector<16xf32>,
    %swap3A_767 = vector.shape_cast %swap3A_766 : vector<16xf32> to vector<16xf32>
    %swap3A_768 = vector.shape_cast %gather3A_764 : vector<16xf32> to vector<16xf32>
    tpu.vector_store %arg9[%swap3A_765], %swap3A_768 {strides = array<i32>} : memref<1024xf32, #tpu.memory_space<vmem>>, vector<16xf32>,
    %get3A_769 = arith.constant 192 : index
    %get3A_770 = tpu.vector_load %arg6[%get3A_769] {strides = array<i32>} : memref<1024xi32, #tpu.memory_space<vmem>>, vector<16xi32>,
    %get3A_771 = vector.shape_cast %get3A_770 : vector<16xi32> to vector<16xi32>
    %reshape3A_772 = vector.shape_cast %get3A_771 : vector<16xi32> to vector<16x1xi32>
    %gather3A_773 = vector.shape_cast %reshape3A_772 : vector<16x1xi32> to vector<16xi32>
    %gather3A_774 = tpu.dynamic_gather %get3A_8[%gather3A_773] in [0] : vector<16xf32>, vector<16xi32> -> vector<16xf32>
    %swap3A_775 = arith.constant 192 : index
    %swap3A_776 = tpu.vector_load %arg9[%swap3A_775] {strides = array<i32>} : memref<1024xf32, #tpu.memory_space<vmem>>, vector<16xf32>,
    %swap3A_777 = vector.shape_cast %swap3A_776 : vector<16xf32> to vector<16xf32>
    %swap3A_778 = vector.shape_cast %gather3A_774 : vector<16xf32> to vector<16xf32>
    tpu.vector_store %arg9[%swap3A_775], %swap3A_778 {strides = array<i32>} : memref<1024xf32, #tpu.memory_space<vmem>>, vector<16xf32>,
    %get3A_779 = arith.constant 208 : index
    %get3A_780 = tpu.vector_load %arg6[%get3A_779] {strides = array<i32>} : memref<1024xi32, #tpu.memory_space<vmem>>, vector<16xi32>,
    %get3A_781 = vector.shape_cast %get3A_780 : vector<16xi32> to vector<16xi32>
    %reshape3A_782 = vector.shape_cast %get3A_781 : vector<16xi32> to vector<16x1xi32>
    %gather3A_783 = vector.shape_cast %reshape3A_782 : vector<16x1xi32> to vector<16xi32>
    %gather3A_784 = tpu.dynamic_gather %get3A_8[%gather3A_783] in [0] : vector<16xf32>, vector<16xi32> -> vector<16xf32>
    %swap3A_785 = arith.constant 208 : index
    %swap3A_786 = tpu.vector_load %arg9[%swap3A_785] {strides = array<i32>} : memref<1024xf32, #tpu.memory_space<vmem>>, vector<16xf32>,
    %swap3A_787 = vector.shape_cast %swap3A_786 : vector<16xf32> to vector<16xf32>
    %swap3A_788 = vector.shape_cast %gather3A_784 : vector<16xf32> to vector<16xf32>
    tpu.vector_store %arg9[%swap3A_785], %swap3A_788 {strides = array<i32>} : memref<1024xf32, #tpu.memory_space<vmem>>, vector<16xf32>,
    %get3A_789 = arith.constant 224 : index
    %get3A_790 = tpu.vector_load %arg6[%get3A_789] {strides = array<i32>} : memref<1024xi32, #tpu.memory_space<vmem>>, vector<16xi32>,
    %get3A_791 = vector.shape_cast %get3A_790 : vector<16xi32> to vector<16xi32>
    %reshape3A_792 = vector.shape_cast %get3A_791 : vector<16xi32> to vector<16x1xi32>
    %gather3A_793 = vector.shape_cast %reshape3A_792 : vector<16x1xi32> to vector<16xi32>
    %gather3A_794 = tpu.dynamic_gather %get3A_8[%gather3A_793] in [0] : vector<16xf32>, vector<16xi32> -> vector<16xf32>
    %swap3A_795 = arith.constant 224 : index
    %swap3A_796 = tpu.vector_load %arg9[%swap3A_795] {strides = array<i32>} : memref<1024xf32, #tpu.memory_space<vmem>>, vector<16xf32>,
    %swap3A_797 = vector.shape_cast %swap3A_796 : vector<16xf32> to vector<16xf32>
    %swap3A_798 = vector.shape_cast %gather3A_794 : vector<16xf32> to vector<16xf32>
    tpu.vector_store %arg9[%swap3A_795], %swap3A_798 {strides = array<i32>} : memref<1024xf32, #tpu.memory_space<vmem>>, vector<16xf32>,
    %get3A_799 = arith.constant 240 : index
    %get3A_800 = tpu.vector_load %arg6[%get3A_799] {strides = array<i32>} : memref<1024xi32, #tpu.memory_space<vmem>>, vector<16xi32>,
    %get3A_801 = vector.shape_cast %get3A_800 : vector<16xi32> to vector<16xi32>
    %reshape3A_802 = vector.shape_cast %get3A_801 : vector<16xi32> to vector<16x1xi32>
    %gather3A_803 = vector.shape_cast %reshape3A_802 : vector<16x1xi32> to vector<16xi32>
    %gather3A_804 = tpu.dynamic_gather %get3A_8[%gather3A_803] in [0] : vector<16xf32>, vector<16xi32> -> vector<16xf32>
    %swap3A_805 = arith.constant 240 : index
    %swap3A_806 = tpu.vector_load %arg9[%swap3A_805] {strides = array<i32>} : memref<1024xf32, #tpu.memory_space<vmem>>, vector<16xf32>,
    %swap3A_807 = vector.shape_cast %swap3A_806 : vector<16xf32> to vector<16xf32>
    %swap3A_808 = vector.shape_cast %gather3A_804 : vector<16xf32> to vector<16xf32>
    tpu.vector_store %arg9[%swap3A_805], %swap3A_808 {strides = array<i32>} : memref<1024xf32, #tpu.memory_space<vmem>>, vector<16xf32>,
    %get3A_809 = arith.constant 256 : index
    %get3A_810 = tpu.vector_load %arg6[%get3A_809] {strides = array<i32>} : memref<1024xi32, #tpu.memory_space<vmem>>, vector<16xi32>,
    %get3A_811 = vector.shape_cast %get3A_810 : vector<16xi32> to vector<16xi32>
    %reshape3A_812 = vector.shape_cast %get3A_811 : vector<16xi32> to vector<16x1xi32>
    %gather3A_813 = vector.shape_cast %reshape3A_812 : vector<16x1xi32> to vector<16xi32>
    %gather3A_814 = tpu.dynamic_gather %get3A_8[%gather3A_813] in [0] : vector<16xf32>, vector<16xi32> -> vector<16xf32>
    %swap3A_815 = arith.constant 256 : index
    %swap3A_816 = tpu.vector_load %arg9[%swap3A_815] {strides = array<i32>} : memref<1024xf32, #tpu.memory_space<vmem>>, vector<16xf32>,
    %swap3A_817 = vector.shape_cast %swap3A_816 : vector<16xf32> to vector<16xf32>
    %swap3A_818 = vector.shape_cast %gather3A_814 : vector<16xf32> to vector<16xf32>
    tpu.vector_store %arg9[%swap3A_815], %swap3A_818 {strides = array<i32>} : memref<1024xf32, #tpu.memory_space<vmem>>, vector<16xf32>,
    %get3A_819 = arith.constant 272 : index
    %get3A_820 = tpu.vector_load %arg6[%get3A_819] {strides = array<i32>} : memref<1024xi32, #tpu.memory_space<vmem>>, vector<16xi32>,
    %get3A_821 = vector.shape_cast %get3A_820 : vector<16xi32> to vector<16xi32>
    %reshape3A_822 = vector.shape_cast %get3A_821 : vector<16xi32> to vector<16x1xi32>
    %gather3A_823 = vector.shape_cast %reshape3A_822 : vector<16x1xi32> to vector<16xi32>
    %gather3A_824 = tpu.dynamic_gather %get3A_8[%gather3A_823] in [0] : vector<16xf32>, vector<16xi32> -> vector<16xf32>
    %swap3A_825 = arith.constant 272 : index
    %swap3A_826 = tpu.vector_load %arg9[%swap3A_825] {strides = array<i32>} : memref<1024xf32, #tpu.memory_space<vmem>>, vector<16xf32>,
    %swap3A_827 = vector.shape_cast %swap3A_826 : vector<16xf32> to vector<16xf32>
    %swap3A_828 = vector.shape_cast %gather3A_824 : vector<16xf32> to vector<16xf32>
    tpu.vector_store %arg9[%swap3A_825], %swap3A_828 {strides = array<i32>} : memref<1024xf32, #tpu.memory_space<vmem>>, vector<16xf32>,
    %get3A_829 = arith.constant 288 : index
    %get3A_830 = tpu.vector_load %arg6[%get3A_829] {strides = array<i32>} : memref<1024xi32, #tpu.memory_space<vmem>>, vector<16xi32>,
    %get3A_831 = vector.shape_cast %get3A_830 : vector<16xi32> to vector<16xi32>
    %reshape3A_832 = vector.shape_cast %get3A_831 : vector<16xi32> to vector<16x1xi32>
    %gather3A_833 = vector.shape_cast %reshape3A_832 : vector<16x1xi32> to vector<16xi32>
    %gather3A_834 = tpu.dynamic_gather %get3A_8[%gather3A_833] in [0] : vector<16xf32>, vector<16xi32> -> vector<16xf32>
    %swap3A_835 = arith.constant 288 : index
    %swap3A_836 = tpu.vector_load %arg9[%swap3A_835] {strides = array<i32>} : memref<1024xf32, #tpu.memory_space<vmem>>, vector<16xf32>,
    %swap3A_837 = vector.shape_cast %swap3A_836 : vector<16xf32> to vector<16xf32>
    %swap3A_838 = vector.shape_cast %gather3A_834 : vector<16xf32> to vector<16xf32>
    tpu.vector_store %arg9[%swap3A_835], %swap3A_838 {strides = array<i32>} : memref<1024xf32, #tpu.memory_space<vmem>>, vector<16xf32>,
    %get3A_839 = arith.constant 304 : index
    %get3A_840 = tpu.vector_load %arg6[%get3A_839] {strides = array<i32>} : memref<1024xi32, #tpu.memory_space<vmem>>, vector<16xi32>,
    %get3A_841 = vector.shape_cast %get3A_840 : vector<16xi32> to vector<16xi32>
    %reshape3A_842 = vector.shape_cast %get3A_841 : vector<16xi32> to vector<16x1xi32>
    %gather3A_843 = vector.shape_cast %reshape3A_842 : vector<16x1xi32> to vector<16xi32>
    %gather3A_844 = tpu.dynamic_gather %get3A_8[%gather3A_843] in [0] : vector<16xf32>, vector<16xi32> -> vector<16xf32>
    %swap3A_845 = arith.constant 304 : index
    %swap3A_846 = tpu.vector_load %arg9[%swap3A_845] {strides = array<i32>} : memref<1024xf32, #tpu.memory_space<vmem>>, vector<16xf32>,
    %swap3A_847 = vector.shape_cast %swap3A_846 : vector<16xf32> to vector<16xf32>
    %swap3A_848 = vector.shape_cast %gather3A_844 : vector<16xf32> to vector<16xf32>
    tpu.vector_store %arg9[%swap3A_845], %swap3A_848 {strides = array<i32>} : memref<1024xf32, #tpu.memory_space<vmem>>, vector<16xf32>,
    %get3A_849 = arith.constant 320 : index
    %get3A_850 = tpu.vector_load %arg6[%get3A_849] {strides = array<i32>} : memref<1024xi32, #tpu.memory_space<vmem>>, vector<16xi32>,
    %get3A_851 = vector.shape_cast %get3A_850 : vector<16xi32> to vector<16xi32>
    %reshape3A_852 = vector.shape_cast %get3A_851 : vector<16xi32> to vector<16x1xi32>
    %gather3A_853 = vector.shape_cast %reshape3A_852 : vector<16x1xi32> to vector<16xi32>
    %gather3A_854 = tpu.dynamic_gather %get3A_8[%gather3A_853] in [0] : vector<16xf32>, vector<16xi32> -> vector<16xf32>
    %swap3A_855 = arith.constant 320 : index
    %swap3A_856 = tpu.vector_load %arg9[%swap3A_855] {strides = array<i32>} : memref<1024xf32, #tpu.memory_space<vmem>>, vector<16xf32>,
    %swap3A_857 = vector.shape_cast %swap3A_856 : vector<16xf32> to vector<16xf32>
    %swap3A_858 = vector.shape_cast %gather3A_854 : vector<16xf32> to vector<16xf32>
    tpu.vector_store %arg9[%swap3A_855], %swap3A_858 {strides = array<i32>} : memref<1024xf32, #tpu.memory_space<vmem>>, vector<16xf32>,
    %get3A_859 = arith.constant 336 : index
    %get3A_860 = tpu.vector_load %arg6[%get3A_859] {strides = array<i32>} : memref<1024xi32, #tpu.memory_space<vmem>>, vector<16xi32>,
    %get3A_861 = vector.shape_cast %get3A_860 : vector<16xi32> to vector<16xi32>
    %reshape3A_862 = vector.shape_cast %get3A_861 : vector<16xi32> to vector<16x1xi32>
    %gather3A_863 = vector.shape_cast %reshape3A_862 : vector<16x1xi32> to vector<16xi32>
    %gather3A_864 = tpu.dynamic_gather %get3A_8[%gather3A_863] in [0] : vector<16xf32>, vector<16xi32> -> vector<16xf32>
    %swap3A_865 = arith.constant 336 : index
    %swap3A_866 = tpu.vector_load %arg9[%swap3A_865] {strides = array<i32>} : memref<1024xf32, #tpu.memory_space<vmem>>, vector<16xf32>,
    %swap3A_867 = vector.shape_cast %swap3A_866 : vector<16xf32> to vector<16xf32>
    %swap3A_868 = vector.shape_cast %gather3A_864 : vector<16xf32> to vector<16xf32>
    tpu.vector_store %arg9[%swap3A_865], %swap3A_868 {strides = array<i32>} : memref<1024xf32, #tpu.memory_space<vmem>>, vector<16xf32>,
    %get3A_869 = arith.constant 352 : index
    %get3A_870 = tpu.vector_load %arg6[%get3A_869] {strides = array<i32>} : memref<1024xi32, #tpu.memory_space<vmem>>, vector<16xi32>,
    %get3A_871 = vector.shape_cast %get3A_870 : vector<16xi32> to vector<16xi32>
    %reshape3A_872 = vector.shape_cast %get3A_871 : vector<16xi32> to vector<16x1xi32>
    %gather3A_873 = vector.shape_cast %reshape3A_872 : vector<16x1xi32> to vector<16xi32>
    %gather3A_874 = tpu.dynamic_gather %get3A_8[%gather3A_873] in [0] : vector<16xf32>, vector<16xi32> -> vector<16xf32>
    %swap3A_875 = arith.constant 352 : index
    %swap3A_876 = tpu.vector_load %arg9[%swap3A_875] {strides = array<i32>} : memref<1024xf32, #tpu.memory_space<vmem>>, vector<16xf32>,
    %swap3A_877 = vector.shape_cast %swap3A_876 : vector<16xf32> to vector<16xf32>
    %swap3A_878 = vector.shape_cast %gather3A_874 : vector<16xf32> to vector<16xf32>
    tpu.vector_store %arg9[%swap3A_875], %swap3A_878 {strides = array<i32>} : memref<1024xf32, #tpu.memory_space<vmem>>, vector<16xf32>,
    %get3A_879 = arith.constant 368 : index
    %get3A_880 = tpu.vector_load %arg6[%get3A_879] {strides = array<i32>} : memref<1024xi32, #tpu.memory_space<vmem>>, vector<16xi32>,
    %get3A_881 = vector.shape_cast %get3A_880 : vector<16xi32> to vector<16xi32>
    %reshape3A_882 = vector.shape_cast %get3A_881 : vector<16xi32> to vector<16x1xi32>
    %gather3A_883 = vector.shape_cast %reshape3A_882 : vector<16x1xi32> to vector<16xi32>
    %gather3A_884 = tpu.dynamic_gather %get3A_8[%gather3A_883] in [0] : vector<16xf32>, vector<16xi32> -> vector<16xf32>
    %swap3A_885 = arith.constant 368 : index
    %swap3A_886 = tpu.vector_load %arg9[%swap3A_885] {strides = array<i32>} : memref<1024xf32, #tpu.memory_space<vmem>>, vector<16xf32>,
    %swap3A_887 = vector.shape_cast %swap3A_886 : vector<16xf32> to vector<16xf32>
    %swap3A_888 = vector.shape_cast %gather3A_884 : vector<16xf32> to vector<16xf32>
    tpu.vector_store %arg9[%swap3A_885], %swap3A_888 {strides = array<i32>} : memref<1024xf32, #tpu.memory_space<vmem>>, vector<16xf32>,
    %get3A_889 = arith.constant 384 : index
    %get3A_890 = tpu.vector_load %arg6[%get3A_889] {strides = array<i32>} : memref<1024xi32, #tpu.memory_space<vmem>>, vector<16xi32>,
    %get3A_891 = vector.shape_cast %get3A_890 : vector<16xi32> to vector<16xi32>
    %reshape3A_892 = vector.shape_cast %get3A_891 : vector<16xi32> to vector<16x1xi32>
    %gather3A_893 = vector.shape_cast %reshape3A_892 : vector<16x1xi32> to vector<16xi32>
    %gather3A_894 = tpu.dynamic_gather %get3A_8[%gather3A_893] in [0] : vector<16xf32>, vector<16xi32> -> vector<16xf32>
    %swap3A_895 = arith.constant 384 : index
    %swap3A_896 = tpu.vector_load %arg9[%swap3A_895] {strides = array<i32>} : memref<1024xf32, #tpu.memory_space<vmem>>, vector<16xf32>,
    %swap3A_897 = vector.shape_cast %swap3A_896 : vector<16xf32> to vector<16xf32>
    %swap3A_898 = vector.shape_cast %gather3A_894 : vector<16xf32> to vector<16xf32>
    tpu.vector_store %arg9[%swap3A_895], %swap3A_898 {strides = array<i32>} : memref<1024xf32, #tpu.memory_space<vmem>>, vector<16xf32>,
    %get3A_899 = arith.constant 400 : index
    %get3A_900 = tpu.vector_load %arg6[%get3A_899] {strides = array<i32>} : memref<1024xi32, #tpu.memory_space<vmem>>, vector<16xi32>,
    %get3A_901 = vector.shape_cast %get3A_900 : vector<16xi32> to vector<16xi32>
    %reshape3A_902 = vector.shape_cast %get3A_901 : vector<16xi32> to vector<16x1xi32>
    %gather3A_903 = vector.shape_cast %reshape3A_902 : vector<16x1xi32> to vector<16xi32>
    %gather3A_904 = tpu.dynamic_gather %get3A_8[%gather3A_903] in [0] : vector<16xf32>, vector<16xi32> -> vector<16xf32>
    %swap3A_905 = arith.constant 400 : index
    %swap3A_906 = tpu.vector_load %arg9[%swap3A_905] {strides = array<i32>} : memref<1024xf32, #tpu.memory_space<vmem>>, vector<16xf32>,
    %swap3A_907 = vector.shape_cast %swap3A_906 : vector<16xf32> to vector<16xf32>
    %swap3A_908 = vector.shape_cast %gather3A_904 : vector<16xf32> to vector<16xf32>
    tpu.vector_store %arg9[%swap3A_905], %swap3A_908 {strides = array<i32>} : memref<1024xf32, #tpu.memory_space<vmem>>, vector<16xf32>,
    %get3A_909 = arith.constant 416 : index
    %get3A_910 = tpu.vector_load %arg6[%get3A_909] {strides = array<i32>} : memref<1024xi32, #tpu.memory_space<vmem>>, vector<16xi32>,
    %get3A_911 = vector.shape_cast %get3A_910 : vector<16xi32> to vector<16xi32>
    %reshape3A_912 = vector.shape_cast %get3A_911 : vector<16xi32> to vector<16x1xi32>
    %gather3A_913 = vector.shape_cast %reshape3A_912 : vector<16x1xi32> to vector<16xi32>
    %gather3A_914 = tpu.dynamic_gather %get3A_8[%gather3A_913] in [0] : vector<16xf32>, vector<16xi32> -> vector<16xf32>
    %swap3A_915 = arith.constant 416 : index
    %swap3A_916 = tpu.vector_load %arg9[%swap3A_915] {strides = array<i32>} : memref<1024xf32, #tpu.memory_space<vmem>>, vector<16xf32>,
    %swap3A_917 = vector.shape_cast %swap3A_916 : vector<16xf32> to vector<16xf32>
    %swap3A_918 = vector.shape_cast %gather3A_914 : vector<16xf32> to vector<16xf32>
    tpu.vector_store %arg9[%swap3A_915], %swap3A_918 {strides = array<i32>} : memref<1024xf32, #tpu.memory_space<vmem>>, vector<16xf32>,
    %get3A_919 = arith.constant 432 : index
    %get3A_920 = tpu.vector_load %arg6[%get3A_919] {strides = array<i32>} : memref<1024xi32, #tpu.memory_space<vmem>>, vector<16xi32>,
    %get3A_921 = vector.shape_cast %get3A_920 : vector<16xi32> to vector<16xi32>
    %reshape3A_922 = vector.shape_cast %get3A_921 : vector<16xi32> to vector<16x1xi32>
    %gather3A_923 = vector.shape_cast %reshape3A_922 : vector<16x1xi32> to vector<16xi32>
    %gather3A_924 = tpu.dynamic_gather %get3A_8[%gather3A_923] in [0] : vector<16xf32>, vector<16xi32> -> vector<16xf32>
    %swap3A_925 = arith.constant 432 : index
    %swap3A_926 = tpu.vector_load %arg9[%swap3A_925] {strides = array<i32>} : memref<1024xf32, #tpu.memory_space<vmem>>, vector<16xf32>,
    %swap3A_927 = vector.shape_cast %swap3A_926 : vector<16xf32> to vector<16xf32>
    %swap3A_928 = vector.shape_cast %gather3A_924 : vector<16xf32> to vector<16xf32>
    tpu.vector_store %arg9[%swap3A_925], %swap3A_928 {strides = array<i32>} : memref<1024xf32, #tpu.memory_space<vmem>>, vector<16xf32>,
    %get3A_929 = arith.constant 448 : index
    %get3A_930 = tpu.vector_load %arg6[%get3A_929] {strides = array<i32>} : memref<1024xi32, #tpu.memory_space<vmem>>, vector<16xi32>,
    %get3A_931 = vector.shape_cast %get3A_930 : vector<16xi32> to vector<16xi32>
    %reshape3A_932 = vector.shape_cast %get3A_931 : vector<16xi32> to vector<16x1xi32>
    %gather3A_933 = vector.shape_cast %reshape3A_932 : vector<16x1xi32> to vector<16xi32>
    %gather3A_934 = tpu.dynamic_gather %get3A_8[%gather3A_933] in [0] : vector<16xf32>, vector<16xi32> -> vector<16xf32>
    %swap3A_935 = arith.constant 448 : index
    %swap3A_936 = tpu.vector_load %arg9[%swap3A_935] {strides = array<i32>} : memref<1024xf32, #tpu.memory_space<vmem>>, vector<16xf32>,
    %swap3A_937 = vector.shape_cast %swap3A_936 : vector<16xf32> to vector<16xf32>
    %swap3A_938 = vector.shape_cast %gather3A_934 : vector<16xf32> to vector<16xf32>
    tpu.vector_store %arg9[%swap3A_935], %swap3A_938 {strides = array<i32>} : memref<1024xf32, #tpu.memory_space<vmem>>, vector<16xf32>,
    %get3A_939 = arith.constant 464 : index
    %get3A_940 = tpu.vector_load %arg6[%get3A_939] {strides = array<i32>} : memref<1024xi32, #tpu.memory_space<vmem>>, vector<16xi32>,
    %get3A_941 = vector.shape_cast %get3A_940 : vector<16xi32> to vector<16xi32>
    %reshape3A_942 = vector.shape_cast %get3A_941 : vector<16xi32> to vector<16x1xi32>
    %gather3A_943 = vector.shape_cast %reshape3A_942 : vector<16x1xi32> to vector<16xi32>
    %gather3A_944 = tpu.dynamic_gather %get3A_8[%gather3A_943] in [0] : vector<16xf32>, vector<16xi32> -> vector<16xf32>
    %swap3A_945 = arith.constant 464 : index
    %swap3A_946 = tpu.vector_load %arg9[%swap3A_945] {strides = array<i32>} : memref<1024xf32, #tpu.memory_space<vmem>>, vector<16xf32>,
    %swap3A_947 = vector.shape_cast %swap3A_946 : vector<16xf32> to vector<16xf32>
    %swap3A_948 = vector.shape_cast %gather3A_944 : vector<16xf32> to vector<16xf32>
    tpu.vector_store %arg9[%swap3A_945], %swap3A_948 {strides = array<i32>} : memref<1024xf32, #tpu.memory_space<vmem>>, vector<16xf32>,
    %get3A_949 = arith.constant 480 : index
    %get3A_950 = tpu.vector_load %arg6[%get3A_949] {strides = array<i32>} : memref<1024xi32, #tpu.memory_space<vmem>>, vector<16xi32>,
    %get3A_951 = vector.shape_cast %get3A_950 : vector<16xi32> to vector<16xi32>
    %reshape3A_952 = vector.shape_cast %get3A_951 : vector<16xi32> to vector<16x1xi32>
    %gather3A_953 = vector.shape_cast %reshape3A_952 : vector<16x1xi32> to vector<16xi32>
    %gather3A_954 = tpu.dynamic_gather %get3A_8[%gather3A_953] in [0] : vector<16xf32>, vector<16xi32> -> vector<16xf32>
    %swap3A_955 = arith.constant 480 : index
    %swap3A_956 = tpu.vector_load %arg9[%swap3A_955] {strides = array<i32>} : memref<1024xf32, #tpu.memory_space<vmem>>, vector<16xf32>,
    %swap3A_957 = vector.shape_cast %swap3A_956 : vector<16xf32> to vector<16xf32>
    %swap3A_958 = vector.shape_cast %gather3A_954 : vector<16xf32> to vector<16xf32>
    tpu.vector_store %arg9[%swap3A_955], %swap3A_958 {strides = array<i32>} : memref<1024xf32, #tpu.memory_space<vmem>>, vector<16xf32>,
    %get3A_959 = arith.constant 496 : index
    %get3A_960 = tpu.vector_load %arg6[%get3A_959] {strides = array<i32>} : memref<1024xi32, #tpu.memory_space<vmem>>, vector<16xi32>,
    %get3A_961 = vector.shape_cast %get3A_960 : vector<16xi32> to vector<16xi32>
    %reshape3A_962 = vector.shape_cast %get3A_961 : vector<16xi32> to vector<16x1xi32>
    %gather3A_963 = vector.shape_cast %reshape3A_962 : vector<16x1xi32> to vector<16xi32>
    %gather3A_964 = tpu.dynamic_gather %get3A_8[%gather3A_963] in [0] : vector<16xf32>, vector<16xi32> -> vector<16xf32>
    %swap3A_965 = arith.constant 496 : index
    %swap3A_966 = tpu.vector_load %arg9[%swap3A_965] {strides = array<i32>} : memref<1024xf32, #tpu.memory_space<vmem>>, vector<16xf32>,
    %swap3A_967 = vector.shape_cast %swap3A_966 : vector<16xf32> to vector<16xf32>
    %swap3A_968 = vector.shape_cast %gather3A_964 : vector<16xf32> to vector<16xf32>
    tpu.vector_store %arg9[%swap3A_965], %swap3A_968 {strides = array<i32>} : memref<1024xf32, #tpu.memory_space<vmem>>, vector<16xf32>,
    %get3A_969 = arith.constant 512 : index
    %get3A_970 = tpu.vector_load %arg6[%get3A_969] {strides = array<i32>} : memref<1024xi32, #tpu.memory_space<vmem>>, vector<16xi32>,
    %get3A_971 = vector.shape_cast %get3A_970 : vector<16xi32> to vector<16xi32>
    %reshape3A_972 = vector.shape_cast %get3A_971 : vector<16xi32> to vector<16x1xi32>
    %gather3A_973 = vector.shape_cast %reshape3A_972 : vector<16x1xi32> to vector<16xi32>
    %gather3A_974 = tpu.dynamic_gather %get3A_8[%gather3A_973] in [0] : vector<16xf32>, vector<16xi32> -> vector<16xf32>
    %swap3A_975 = arith.constant 512 : index
    %swap3A_976 = tpu.vector_load %arg9[%swap3A_975] {strides = array<i32>} : memref<1024xf32, #tpu.memory_space<vmem>>, vector<16xf32>,
    %swap3A_977 = vector.shape_cast %swap3A_976 : vector<16xf32> to vector<16xf32>
    %swap3A_978 = vector.shape_cast %gather3A_974 : vector<16xf32> to vector<16xf32>
    tpu.vector_store %arg9[%swap3A_975], %swap3A_978 {strides = array<i32>} : memref<1024xf32, #tpu.memory_space<vmem>>, vector<16xf32>,
    %get3A_979 = arith.constant 528 : index
    %get3A_980 = tpu.vector_load %arg6[%get3A_979] {strides = array<i32>} : memref<1024xi32, #tpu.memory_space<vmem>>, vector<16xi32>,
    %get3A_981 = vector.shape_cast %get3A_980 : vector<16xi32> to vector<16xi32>
    %reshape3A_982 = vector.shape_cast %get3A_981 : vector<16xi32> to vector<16x1xi32>
    %gather3A_983 = vector.shape_cast %reshape3A_982 : vector<16x1xi32> to vector<16xi32>
    %gather3A_984 = tpu.dynamic_gather %get3A_8[%gather3A_983] in [0] : vector<16xf32>, vector<16xi32> -> vector<16xf32>
    %swap3A_985 = arith.constant 528 : index
    %swap3A_986 = tpu.vector_load %arg9[%swap3A_985] {strides = array<i32>} : memref<1024xf32, #tpu.memory_space<vmem>>, vector<16xf32>,
    %swap3A_987 = vector.shape_cast %swap3A_986 : vector<16xf32> to vector<16xf32>
    %swap3A_988 = vector.shape_cast %gather3A_984 : vector<16xf32> to vector<16xf32>
    tpu.vector_store %arg9[%swap3A_985], %swap3A_988 {strides = array<i32>} : memref<1024xf32, #tpu.memory_space<vmem>>, vector<16xf32>,
    %get3A_989 = arith.constant 544 : index
    %get3A_990 = tpu.vector_load %arg6[%get3A_989] {strides = array<i32>} : memref<1024xi32, #tpu.memory_space<vmem>>, vector<16xi32>,
    %get3A_991 = vector.shape_cast %get3A_990 : vector<16xi32> to vector<16xi32>
    %reshape3A_992 = vector.shape_cast %get3A_991 : vector<16xi32> to vector<16x1xi32>
    %gather3A_993 = vector.shape_cast %reshape3A_992 : vector<16x1xi32> to vector<16xi32>
    %gather3A_994 = tpu.dynamic_gather %get3A_8[%gather3A_993] in [0] : vector<16xf32>, vector<16xi32> -> vector<16xf32>
    %swap3A_995 = arith.constant 544 : index
    %swap3A_996 = tpu.vector_load %arg9[%swap3A_995] {strides = array<i32>} : memref<1024xf32, #tpu.memory_space<vmem>>, vector<16xf32>,
    %swap3A_997 = vector.shape_cast %swap3A_996 : vector<16xf32> to vector<16xf32>
    %swap3A_998 = vector.shape_cast %gather3A_994 : vector<16xf32> to vector<16xf32>
    tpu.vector_store %arg9[%swap3A_995], %swap3A_998 {strides = array<i32>} : memref<1024xf32, #tpu.memory_space<vmem>>, vector<16xf32>,
    %get3A_999 = arith.constant 560 : index
    %get3A_1000 = tpu.vector_load %arg6[%get3A_999] {strides = array<i32>} : memref<1024xi32, #tpu.memory_space<vmem>>, vector<16xi32>,
    %get3A_1001 = vector.shape_cast %get3A_1000 : vector<16xi32> to vector<16xi32>
    %reshape3A_1002 = vector.shape_cast %get3A_1001 : vector<16xi32> to vector<16x1xi32>
    %gather3A_1003 = vector.shape_cast %reshape3A_1002 : vector<16x1xi32> to vector<16xi32>
    %gather3A_1004 = tpu.dynamic_gather %get3A_8[%gather3A_1003] in [0] : vector<16xf32>, vector<16xi32> -> vector<16xf32>
    %swap3A_1005 = arith.constant 560 : index
    %swap3A_1006 = tpu.vector_load %arg9[%swap3A_1005] {strides = array<i32>} : memref<1024xf32, #tpu.memory_space<vmem>>, vector<16xf32>,
    %swap3A_1007 = vector.shape_cast %swap3A_1006 : vector<16xf32> to vector<16xf32>
    %swap3A_1008 = vector.shape_cast %gather3A_1004 : vector<16xf32> to vector<16xf32>
    tpu.vector_store %arg9[%swap3A_1005], %swap3A_1008 {strides = array<i32>} : memref<1024xf32, #tpu.memory_space<vmem>>, vector<16xf32>,
    %get3A_1009 = arith.constant 576 : index
    %get3A_1010 = tpu.vector_load %arg6[%get3A_1009] {strides = array<i32>} : memref<1024xi32, #tpu.memory_space<vmem>>, vector<16xi32>,
    %get3A_1011 = vector.shape_cast %get3A_1010 : vector<16xi32> to vector<16xi32>
    %reshape3A_1012 = vector.shape_cast %get3A_1011 : vector<16xi32> to vector<16x1xi32>
    %gather3A_1013 = vector.shape_cast %reshape3A_1012 : vector<16x1xi32> to vector<16xi32>
    %gather3A_1014 = tpu.dynamic_gather %get3A_8[%gather3A_1013] in [0] : vector<16xf32>, vector<16xi32> -> vector<16xf32>
    %swap3A_1015 = arith.constant 576 : index
    %swap3A_1016 = tpu.vector_load %arg9[%swap3A_1015] {strides = array<i32>} : memref<1024xf32, #tpu.memory_space<vmem>>, vector<16xf32>,
    %swap3A_1017 = vector.shape_cast %swap3A_1016 : vector<16xf32> to vector<16xf32>
    %swap3A_1018 = vector.shape_cast %gather3A_1014 : vector<16xf32> to vector<16xf32>
    tpu.vector_store %arg9[%swap3A_1015], %swap3A_1018 {strides = array<i32>} : memref<1024xf32, #tpu.memory_space<vmem>>, vector<16xf32>,
    %get3A_1019 = arith.constant 592 : index
    %get3A_1020 = tpu.vector_load %arg6[%get3A_1019] {strides = array<i32>} : memref<1024xi32, #tpu.memory_space<vmem>>, vector<16xi32>,
    %get3A_1021 = vector.shape_cast %get3A_1020 : vector<16xi32> to vector<16xi32>
    %reshape3A_1022 = vector.shape_cast %get3A_1021 : vector<16xi32> to vector<16x1xi32>
    %gather3A_1023 = vector.shape_cast %reshape3A_1022 : vector<16x1xi32> to vector<16xi32>
    %gather3A_1024 = tpu.dynamic_gather %get3A_8[%gather3A_1023] in [0] : vector<16xf32>, vector<16xi32> -> vector<16xf32>
    %swap3A_1025 = arith.constant 592 : index
    %swap3A_1026 = tpu.vector_load %arg9[%swap3A_1025] {strides = array<i32>} : memref<1024xf32, #tpu.memory_space<vmem>>, vector<16xf32>,
    %swap3A_1027 = vector.shape_cast %swap3A_1026 : vector<16xf32> to vector<16xf32>
    %swap3A_1028 = vector.shape_cast %gather3A_1024 : vector<16xf32> to vector<16xf32>
    tpu.vector_store %arg9[%swap3A_1025], %swap3A_1028 {strides = array<i32>} : memref<1024xf32, #tpu.memory_space<vmem>>, vector<16xf32>,
    %get3A_1029 = arith.constant 608 : index
    %get3A_1030 = tpu.vector_load %arg6[%get3A_1029] {strides = array<i32>} : memref<1024xi32, #tpu.memory_space<vmem>>, vector<16xi32>,
    %get3A_1031 = vector.shape_cast %get3A_1030 : vector<16xi32> to vector<16xi32>
    %reshape3A_1032 = vector.shape_cast %get3A_1031 : vector<16xi32> to vector<16x1xi32>
    %gather3A_1033 = vector.shape_cast %reshape3A_1032 : vector<16x1xi32> to vector<16xi32>
    %gather3A_1034 = tpu.dynamic_gather %get3A_8[%gather3A_1033] in [0] : vector<16xf32>, vector<16xi32> -> vector<16xf32>
    %swap3A_1035 = arith.constant 608 : index
    %swap3A_1036 = tpu.vector_load %arg9[%swap3A_1035] {strides = array<i32>} : memref<1024xf32, #tpu.memory_space<vmem>>, vector<16xf32>,
    %swap3A_1037 = vector.shape_cast %swap3A_1036 : vector<16xf32> to vector<16xf32>
    %swap3A_1038 = vector.shape_cast %gather3A_1034 : vector<16xf32> to vector<16xf32>
    tpu.vector_store %arg9[%swap3A_1035], %swap3A_1038 {strides = array<i32>} : memref<1024xf32, #tpu.memory_space<vmem>>, vector<16xf32>,
    %get3A_1039 = arith.constant 624 : index
    %get3A_1040 = tpu.vector_load %arg6[%get3A_1039] {strides = array<i32>} : memref<1024xi32, #tpu.memory_space<vmem>>, vector<16xi32>,
    %get3A_1041 = vector.shape_cast %get3A_1040 : vector<16xi32> to vector<16xi32>
    %reshape3A_1042 = vector.shape_cast %get3A_1041 : vector<16xi32> to vector<16x1xi32>
    %gather3A_1043 = vector.shape_cast %reshape3A_1042 : vector<16x1xi32> to vector<16xi32>
    %gather3A_1044 = tpu.dynamic_gather %get3A_8[%gather3A_1043] in [0] : vector<16xf32>, vector<16xi32> -> vector<16xf32>
    %swap3A_1045 = arith.constant 624 : index
    %swap3A_1046 = tpu.vector_load %arg9[%swap3A_1045] {strides = array<i32>} : memref<1024xf32, #tpu.memory_space<vmem>>, vector<16xf32>,
    %swap3A_1047 = vector.shape_cast %swap3A_1046 : vector<16xf32> to vector<16xf32>
    %swap3A_1048 = vector.shape_cast %gather3A_1044 : vector<16xf32> to vector<16xf32>
    tpu.vector_store %arg9[%swap3A_1045], %swap3A_1048 {strides = array<i32>} : memref<1024xf32, #tpu.memory_space<vmem>>, vector<16xf32>,
    %get3A_1049 = arith.constant 640 : index
    %get3A_1050 = tpu.vector_load %arg6[%get3A_1049] {strides = array<i32>} : memref<1024xi32, #tpu.memory_space<vmem>>, vector<16xi32>,
    %get3A_1051 = vector.shape_cast %get3A_1050 : vector<16xi32> to vector<16xi32>
    %reshape3A_1052 = vector.shape_cast %get3A_1051 : vector<16xi32> to vector<16x1xi32>
    %gather3A_1053 = vector.shape_cast %reshape3A_1052 : vector<16x1xi32> to vector<16xi32>
    %gather3A_1054 = tpu.dynamic_gather %get3A_8[%gather3A_1053] in [0] : vector<16xf32>, vector<16xi32> -> vector<16xf32>
    %swap3A_1055 = arith.constant 640 : index
    %swap3A_1056 = tpu.vector_load %arg9[%swap3A_1055] {strides = array<i32>} : memref<1024xf32, #tpu.memory_space<vmem>>, vector<16xf32>,
    %swap3A_1057 = vector.shape_cast %swap3A_1056 : vector<16xf32> to vector<16xf32>
    %swap3A_1058 = vector.shape_cast %gather3A_1054 : vector<16xf32> to vector<16xf32>
    tpu.vector_store %arg9[%swap3A_1055], %swap3A_1058 {strides = array<i32>} : memref<1024xf32, #tpu.memory_space<vmem>>, vector<16xf32>,
    %get3A_1059 = arith.constant 656 : index
    %get3A_1060 = tpu.vector_load %arg6[%get3A_1059] {strides = array<i32>} : memref<1024xi32, #tpu.memory_space<vmem>>, vector<16xi32>,
    %get3A_1061 = vector.shape_cast %get3A_1060 : vector<16xi32> to vector<16xi32>
    %reshape3A_1062 = vector.shape_cast %get3A_1061 : vector<16xi32> to vector<16x1xi32>
    %gather3A_1063 = vector.shape_cast %reshape3A_1062 : vector<16x1xi32> to vector<16xi32>
    %gather3A_1064 = tpu.dynamic_gather %get3A_8[%gather3A_1063] in [0] : vector<16xf32>, vector<16xi32> -> vector<16xf32>
    %swap3A_1065 = arith.constant 656 : index
    %swap3A_1066 = tpu.vector_load %arg9[%swap3A_1065] {strides = array<i32>} : memref<1024xf32, #tpu.memory_space<vmem>>, vector<16xf32>,
    %swap3A_1067 = vector.shape_cast %swap3A_1066 : vector<16xf32> to vector<16xf32>
    %swap3A_1068 = vector.shape_cast %gather3A_1064 : vector<16xf32> to vector<16xf32>
    tpu.vector_store %arg9[%swap3A_1065], %swap3A_1068 {strides = array<i32>} : memref<1024xf32, #tpu.memory_space<vmem>>, vector<16xf32>,
    %get3A_1069 = arith.constant 672 : index
    %get3A_1070 = tpu.vector_load %arg6[%get3A_1069] {strides = array<i32>} : memref<1024xi32, #tpu.memory_space<vmem>>, vector<16xi32>,
    %get3A_1071 = vector.shape_cast %get3A_1070 : vector<16xi32> to vector<16xi32>
    %reshape3A_1072 = vector.shape_cast %get3A_1071 : vector<16xi32> to vector<16x1xi32>
    %gather3A_1073 = vector.shape_cast %reshape3A_1072 : vector<16x1xi32> to vector<16xi32>
    %gather3A_1074 = tpu.dynamic_gather %get3A_8[%gather3A_1073] in [0] : vector<16xf32>, vector<16xi32> -> vector<16xf32>
    %swap3A_1075 = arith.constant 672 : index
    %swap3A_1076 = tpu.vector_load %arg9[%swap3A_1075] {strides = array<i32>} : memref<1024xf32, #tpu.memory_space<vmem>>, vector<16xf32>,
    %swap3A_1077 = vector.shape_cast %swap3A_1076 : vector<16xf32> to vector<16xf32>
    %swap3A_1078 = vector.shape_cast %gather3A_1074 : vector<16xf32> to vector<16xf32>
    tpu.vector_store %arg9[%swap3A_1075], %swap3A_1078 {strides = array<i32>} : memref<1024xf32, #tpu.memory_space<vmem>>, vector<16xf32>,
    %get3A_1079 = arith.constant 688 : index
    %get3A_1080 = tpu.vector_load %arg6[%get3A_1079] {strides = array<i32>} : memref<1024xi32, #tpu.memory_space<vmem>>, vector<16xi32>,
    %get3A_1081 = vector.shape_cast %get3A_1080 : vector<16xi32> to vector<16xi32>
    %reshape3A_1082 = vector.shape_cast %get3A_1081 : vector<16xi32> to vector<16x1xi32>
    %gather3A_1083 = vector.shape_cast %reshape3A_1082 : vector<16x1xi32> to vector<16xi32>
    %gather3A_1084 = tpu.dynamic_gather %get3A_8[%gather3A_1083] in [0] : vector<16xf32>, vector<16xi32> -> vector<16xf32>
    %swap3A_1085 = arith.constant 688 : index
    %swap3A_1086 = tpu.vector_load %arg9[%swap3A_1085] {strides = array<i32>} : memref<1024xf32, #tpu.memory_space<vmem>>, vector<16xf32>,
    %swap3A_1087 = vector.shape_cast %swap3A_1086 : vector<16xf32> to vector<16xf32>
    %swap3A_1088 = vector.shape_cast %gather3A_1084 : vector<16xf32> to vector<16xf32>
    tpu.vector_store %arg9[%swap3A_1085], %swap3A_1088 {strides = array<i32>} : memref<1024xf32, #tpu.memory_space<vmem>>, vector<16xf32>,
    %get3A_1089 = arith.constant 704 : index
    %get3A_1090 = tpu.vector_load %arg6[%get3A_1089] {strides = array<i32>} : memref<1024xi32, #tpu.memory_space<vmem>>, vector<16xi32>,
    %get3A_1091 = vector.shape_cast %get3A_1090 : vector<16xi32> to vector<16xi32>
    %reshape3A_1092 = vector.shape_cast %get3A_1091 : vector<16xi32> to vector<16x1xi32>
    %gather3A_1093 = vector.shape_cast %reshape3A_1092 : vector<16x1xi32> to vector<16xi32>
    %gather3A_1094 = tpu.dynamic_gather %get3A_8[%gather3A_1093] in [0] : vector<16xf32>, vector<16xi32> -> vector<16xf32>
    %swap3A_1095 = arith.constant 704 : index
    %swap3A_1096 = tpu.vector_load %arg9[%swap3A_1095] {strides = array<i32>} : memref<1024xf32, #tpu.memory_space<vmem>>, vector<16xf32>,
    %swap3A_1097 = vector.shape_cast %swap3A_1096 : vector<16xf32> to vector<16xf32>
    %swap3A_1098 = vector.shape_cast %gather3A_1094 : vector<16xf32> to vector<16xf32>
    tpu.vector_store %arg9[%swap3A_1095], %swap3A_1098 {strides = array<i32>} : memref<1024xf32, #tpu.memory_space<vmem>>, vector<16xf32>,
    %get3A_1099 = arith.constant 720 : index
    %get3A_1100 = tpu.vector_load %arg6[%get3A_1099] {strides = array<i32>} : memref<1024xi32, #tpu.memory_space<vmem>>, vector<16xi32>,
    %get3A_1101 = vector.shape_cast %get3A_1100 : vector<16xi32> to vector<16xi32>
    %reshape3A_1102 = vector.shape_cast %get3A_1101 : vector<16xi32> to vector<16x1xi32>
    %gather3A_1103 = vector.shape_cast %reshape3A_1102 : vector<16x1xi32> to vector<16xi32>
    %gather3A_1104 = tpu.dynamic_gather %get3A_8[%gather3A_1103] in [0] : vector<16xf32>, vector<16xi32> -> vector<16xf32>
    %swap3A_1105 = arith.constant 720 : index
    %swap3A_1106 = tpu.vector_load %arg9[%swap3A_1105] {strides = array<i32>} : memref<1024xf32, #tpu.memory_space<vmem>>, vector<16xf32>,
    %swap3A_1107 = vector.shape_cast %swap3A_1106 : vector<16xf32> to vector<16xf32>
    %swap3A_1108 = vector.shape_cast %gather3A_1104 : vector<16xf32> to vector<16xf32>
    tpu.vector_store %arg9[%swap3A_1105], %swap3A_1108 {strides = array<i32>} : memref<1024xf32, #tpu.memory_space<vmem>>, vector<16xf32>,
    %get3A_1109 = arith.constant 736 : index
    %get3A_1110 = tpu.vector_load %arg6[%get3A_1109] {strides = array<i32>} : memref<1024xi32, #tpu.memory_space<vmem>>, vector<16xi32>,
    %get3A_1111 = vector.shape_cast %get3A_1110 : vector<16xi32> to vector<16xi32>
    %reshape3A_1112 = vector.shape_cast %get3A_1111 : vector<16xi32> to vector<16x1xi32>
    %gather3A_1113 = vector.shape_cast %reshape3A_1112 : vector<16x1xi32> to vector<16xi32>
    %gather3A_1114 = tpu.dynamic_gather %get3A_8[%gather3A_1113] in [0] : vector<16xf32>, vector<16xi32> -> vector<16xf32>
    %swap3A_1115 = arith.constant 736 : index
    %swap3A_1116 = tpu.vector_load %arg9[%swap3A_1115] {strides = array<i32>} : memref<1024xf32, #tpu.memory_space<vmem>>, vector<16xf32>,
    %swap3A_1117 = vector.shape_cast %swap3A_1116 : vector<16xf32> to vector<16xf32>
    %swap3A_1118 = vector.shape_cast %gather3A_1114 : vector<16xf32> to vector<16xf32>
    tpu.vector_store %arg9[%swap3A_1115], %swap3A_1118 {strides = array<i32>} : memref<1024xf32, #tpu.memory_space<vmem>>, vector<16xf32>,
    %get3A_1119 = arith.constant 752 : index
    %get3A_1120 = tpu.vector_load %arg6[%get3A_1119] {strides = array<i32>} : memref<1024xi32, #tpu.memory_space<vmem>>, vector<16xi32>,
    %get3A_1121 = vector.shape_cast %get3A_1120 : vector<16xi32> to vector<16xi32>
    %reshape3A_1122 = vector.shape_cast %get3A_1121 : vector<16xi32> to vector<16x1xi32>
    %gather3A_1123 = vector.shape_cast %reshape3A_1122 : vector<16x1xi32> to vector<16xi32>
    %gather3A_1124 = tpu.dynamic_gather %get3A_8[%gather3A_1123] in [0] : vector<16xf32>, vector<16xi32> -> vector<16xf32>
    %swap3A_1125 = arith.constant 752 : index
    %swap3A_1126 = tpu.vector_load %arg9[%swap3A_1125] {strides = array<i32>} : memref<1024xf32, #tpu.memory_space<vmem>>, vector<16xf32>,
    %swap3A_1127 = vector.shape_cast %swap3A_1126 : vector<16xf32> to vector<16xf32>
    %swap3A_1128 = vector.shape_cast %gather3A_1124 : vector<16xf32> to vector<16xf32>
    tpu.vector_store %arg9[%swap3A_1125], %swap3A_1128 {strides = array<i32>} : memref<1024xf32, #tpu.memory_space<vmem>>, vector<16xf32>,
    %get3A_1129 = arith.constant 768 : index
    %get3A_1130 = tpu.vector_load %arg6[%get3A_1129] {strides = array<i32>} : memref<1024xi32, #tpu.memory_space<vmem>>, vector<16xi32>,
    %get3A_1131 = vector.shape_cast %get3A_1130 : vector<16xi32> to vector<16xi32>
    %reshape3A_1132 = vector.shape_cast %get3A_1131 : vector<16xi32> to vector<16x1xi32>
    %gather3A_1133 = vector.shape_cast %reshape3A_1132 : vector<16x1xi32> to vector<16xi32>
    %gather3A_1134 = tpu.dynamic_gather %get3A_8[%gather3A_1133] in [0] : vector<16xf32>, vector<16xi32> -> vector<16xf32>
    %swap3A_1135 = arith.constant 768 : index
    %swap3A_1136 = tpu.vector_load %arg9[%swap3A_1135] {strides = array<i32>} : memref<1024xf32, #tpu.memory_space<vmem>>, vector<16xf32>,
    %swap3A_1137 = vector.shape_cast %swap3A_1136 : vector<16xf32> to vector<16xf32>
    %swap3A_1138 = vector.shape_cast %gather3A_1134 : vector<16xf32> to vector<16xf32>
    tpu.vector_store %arg9[%swap3A_1135], %swap3A_1138 {strides = array<i32>} : memref<1024xf32, #tpu.memory_space<vmem>>, vector<16xf32>,
    %get3A_1139 = arith.constant 784 : index
    %get3A_1140 = tpu.vector_load %arg6[%get3A_1139] {strides = array<i32>} : memref<1024xi32, #tpu.memory_space<vmem>>, vector<16xi32>,
    %get3A_1141 = vector.shape_cast %get3A_1140 : vector<16xi32> to vector<16xi32>
    %reshape3A_1142 = vector.shape_cast %get3A_1141 : vector<16xi32> to vector<16x1xi32>
    %gather3A_1143 = vector.shape_cast %reshape3A_1142 : vector<16x1xi32> to vector<16xi32>
    %gather3A_1144 = tpu.dynamic_gather %get3A_8[%gather3A_1143] in [0] : vector<16xf32>, vector<16xi32> -> vector<16xf32>
    %swap3A_1145 = arith.constant 784 : index
    %swap3A_1146 = tpu.vector_load %arg9[%swap3A_1145] {strides = array<i32>} : memref<1024xf32, #tpu.memory_space<vmem>>, vector<16xf32>,
    %swap3A_1147 = vector.shape_cast %swap3A_1146 : vector<16xf32> to vector<16xf32>
    %swap3A_1148 = vector.shape_cast %gather3A_1144 : vector<16xf32> to vector<16xf32>
    tpu.vector_store %arg9[%swap3A_1145], %swap3A_1148 {strides = array<i32>} : memref<1024xf32, #tpu.memory_space<vmem>>, vector<16xf32>,
    %get3A_1149 = arith.constant 800 : index
    %get3A_1150 = tpu.vector_load %arg6[%get3A_1149] {strides = array<i32>} : memref<1024xi32, #tpu.memory_space<vmem>>, vector<16xi32>,
    %get3A_1151 = vector.shape_cast %get3A_1150 : vector<16xi32> to vector<16xi32>
    %reshape3A_1152 = vector.shape_cast %get3A_1151 : vector<16xi32> to vector<16x1xi32>
    %gather3A_1153 = vector.shape_cast %reshape3A_1152 : vector<16x1xi32> to vector<16xi32>
    %gather3A_1154 = tpu.dynamic_gather %get3A_8[%gather3A_1153] in [0] : vector<16xf32>, vector<16xi32> -> vector<16xf32>
    %swap3A_1155 = arith.constant 800 : index
    %swap3A_1156 = tpu.vector_load %arg9[%swap3A_1155] {strides = array<i32>} : memref<1024xf32, #tpu.memory_space<vmem>>, vector<16xf32>,
    %swap3A_1157 = vector.shape_cast %swap3A_1156 : vector<16xf32> to vector<16xf32>
    %swap3A_1158 = vector.shape_cast %gather3A_1154 : vector<16xf32> to vector<16xf32>
    tpu.vector_store %arg9[%swap3A_1155], %swap3A_1158 {strides = array<i32>} : memref<1024xf32, #tpu.memory_space<vmem>>, vector<16xf32>,
    %get3A_1159 = arith.constant 816 : index
    %get3A_1160 = tpu.vector_load %arg6[%get3A_1159] {strides = array<i32>} : memref<1024xi32, #tpu.memory_space<vmem>>, vector<16xi32>,
    %get3A_1161 = vector.shape_cast %get3A_1160 : vector<16xi32> to vector<16xi32>
    %reshape3A_1162 = vector.shape_cast %get3A_1161 : vector<16xi32> to vector<16x1xi32>
    %gather3A_1163 = vector.shape_cast %reshape3A_1162 : vector<16x1xi32> to vector<16xi32>
    %gather3A_1164 = tpu.dynamic_gather %get3A_8[%gather3A_1163] in [0] : vector<16xf32>, vector<16xi32> -> vector<16xf32>
    %swap3A_1165 = arith.constant 816 : index
    %swap3A_1166 = tpu.vector_load %arg9[%swap3A_1165] {strides = array<i32>} : memref<1024xf32, #tpu.memory_space<vmem>>, vector<16xf32>,
    %swap3A_1167 = vector.shape_cast %swap3A_1166 : vector<16xf32> to vector<16xf32>
    %swap3A_1168 = vector.shape_cast %gather3A_1164 : vector<16xf32> to vector<16xf32>
    tpu.vector_store %arg9[%swap3A_1165], %swap3A_1168 {strides = array<i32>} : memref<1024xf32, #tpu.memory_space<vmem>>, vector<16xf32>,
    %get3A_1169 = arith.constant 832 : index
    %get3A_1170 = tpu.vector_load %arg6[%get3A_1169] {strides = array<i32>} : memref<1024xi32, #tpu.memory_space<vmem>>, vector<16xi32>,
    %get3A_1171 = vector.shape_cast %get3A_1170 : vector<16xi32> to vector<16xi32>
    %reshape3A_1172 = vector.shape_cast %get3A_1171 : vector<16xi32> to vector<16x1xi32>
    %gather3A_1173 = vector.shape_cast %reshape3A_1172 : vector<16x1xi32> to vector<16xi32>
    %gather3A_1174 = tpu.dynamic_gather %get3A_8[%gather3A_1173] in [0] : vector<16xf32>, vector<16xi32> -> vector<16xf32>
    %swap3A_1175 = arith.constant 832 : index
    %swap3A_1176 = tpu.vector_load %arg9[%swap3A_1175] {strides = array<i32>} : memref<1024xf32, #tpu.memory_space<vmem>>, vector<16xf32>,
    %swap3A_1177 = vector.shape_cast %swap3A_1176 : vector<16xf32> to vector<16xf32>
    %swap3A_1178 = vector.shape_cast %gather3A_1174 : vector<16xf32> to vector<16xf32>
    tpu.vector_store %arg9[%swap3A_1175], %swap3A_1178 {strides = array<i32>} : memref<1024xf32, #tpu.memory_space<vmem>>, vector<16xf32>,
    %get3A_1179 = arith.constant 848 : index
    %get3A_1180 = tpu.vector_load %arg6[%get3A_1179] {strides = array<i32>} : memref<1024xi32, #tpu.memory_space<vmem>>, vector<16xi32>,
    %get3A_1181 = vector.shape_cast %get3A_1180 : vector<16xi32> to vector<16xi32>
    %reshape3A_1182 = vector.shape_cast %get3A_1181 : vector<16xi32> to vector<16x1xi32>
    %gather3A_1183 = vector.shape_cast %reshape3A_1182 : vector<16x1xi32> to vector<16xi32>
    %gather3A_1184 = tpu.dynamic_gather %get3A_8[%gather3A_1183] in [0] : vector<16xf32>, vector<16xi32> -> vector<16xf32>
    %swap3A_1185 = arith.constant 848 : index
    %swap3A_1186 = tpu.vector_load %arg9[%swap3A_1185] {strides = array<i32>} : memref<1024xf32, #tpu.memory_space<vmem>>, vector<16xf32>,
    %swap3A_1187 = vector.shape_cast %swap3A_1186 : vector<16xf32> to vector<16xf32>
    %swap3A_1188 = vector.shape_cast %gather3A_1184 : vector<16xf32> to vector<16xf32>
    tpu.vector_store %arg9[%swap3A_1185], %swap3A_1188 {strides = array<i32>} : memref<1024xf32, #tpu.memory_space<vmem>>, vector<16xf32>,
    %get3A_1189 = arith.constant 864 : index
    %get3A_1190 = tpu.vector_load %arg6[%get3A_1189] {strides = array<i32>} : memref<1024xi32, #tpu.memory_space<vmem>>, vector<16xi32>,
    %get3A_1191 = vector.shape_cast %get3A_1190 : vector<16xi32> to vector<16xi32>
    %reshape3A_1192 = vector.shape_cast %get3A_1191 : vector<16xi32> to vector<16x1xi32>
    %gather3A_1193 = vector.shape_cast %reshape3A_1192 : vector<16x1xi32> to vector<16xi32>
    %gather3A_1194 = tpu.dynamic_gather %get3A_8[%gather3A_1193] in [0] : vector<16xf32>, vector<16xi32> -> vector<16xf32>
    %swap3A_1195 = arith.constant 864 : index
    %swap3A_1196 = tpu.vector_load %arg9[%swap3A_1195] {strides = array<i32>} : memref<1024xf32, #tpu.memory_space<vmem>>, vector<16xf32>,
    %swap3A_1197 = vector.shape_cast %swap3A_1196 : vector<16xf32> to vector<16xf32>
    %swap3A_1198 = vector.shape_cast %gather3A_1194 : vector<16xf32> to vector<16xf32>
    tpu.vector_store %arg9[%swap3A_1195], %swap3A_1198 {strides = array<i32>} : memref<1024xf32, #tpu.memory_space<vmem>>, vector<16xf32>,
    %get3A_1199 = arith.constant 880 : index
    %get3A_1200 = tpu.vector_load %arg6[%get3A_1199] {strides = array<i32>} : memref<1024xi32, #tpu.memory_space<vmem>>, vector<16xi32>,
    %get3A_1201 = vector.shape_cast %get3A_1200 : vector<16xi32> to vector<16xi32>
    %reshape3A_1202 = vector.shape_cast %get3A_1201 : vector<16xi32> to vector<16x1xi32>
    %gather3A_1203 = vector.shape_cast %reshape3A_1202 : vector<16x1xi32> to vector<16xi32>
    %gather3A_1204 = tpu.dynamic_gather %get3A_8[%gather3A_1203] in [0] : vector<16xf32>, vector<16xi32> -> vector<16xf32>
    %swap3A_1205 = arith.constant 880 : index
    %swap3A_1206 = tpu.vector_load %arg9[%swap3A_1205] {strides = array<i32>} : memref<1024xf32, #tpu.memory_space<vmem>>, vector<16xf32>,
    %swap3A_1207 = vector.shape_cast %swap3A_1206 : vector<16xf32> to vector<16xf32>
    %swap3A_1208 = vector.shape_cast %gather3A_1204 : vector<16xf32> to vector<16xf32>
    tpu.vector_store %arg9[%swap3A_1205], %swap3A_1208 {strides = array<i32>} : memref<1024xf32, #tpu.memory_space<vmem>>, vector<16xf32>,
    %get3A_1209 = arith.constant 896 : index
    %get3A_1210 = tpu.vector_load %arg6[%get3A_1209] {strides = array<i32>} : memref<1024xi32, #tpu.memory_space<vmem>>, vector<16xi32>,
    %get3A_1211 = vector.shape_cast %get3A_1210 : vector<16xi32> to vector<16xi32>
    %reshape3A_1212 = vector.shape_cast %get3A_1211 : vector<16xi32> to vector<16x1xi32>
    %gather3A_1213 = vector.shape_cast %reshape3A_1212 : vector<16x1xi32> to vector<16xi32>
    %gather3A_1214 = tpu.dynamic_gather %get3A_8[%gather3A_1213] in [0] : vector<16xf32>, vector<16xi32> -> vector<16xf32>
    %swap3A_1215 = arith.constant 896 : index
    %swap3A_1216 = tpu.vector_load %arg9[%swap3A_1215] {strides = array<i32>} : memref<1024xf32, #tpu.memory_space<vmem>>, vector<16xf32>,
    %swap3A_1217 = vector.shape_cast %swap3A_1216 : vector<16xf32> to vector<16xf32>
    %swap3A_1218 = vector.shape_cast %gather3A_1214 : vector<16xf32> to vector<16xf32>
    tpu.vector_store %arg9[%swap3A_1215], %swap3A_1218 {strides = array<i32>} : memref<1024xf32, #tpu.memory_space<vmem>>, vector<16xf32>,
    %get3A_1219 = arith.constant 912 : index
    %get3A_1220 = tpu.vector_load %arg6[%get3A_1219] {strides = array<i32>} : memref<1024xi32, #tpu.memory_space<vmem>>, vector<16xi32>,
    %get3A_1221 = vector.shape_cast %get3A_1220 : vector<16xi32> to vector<16xi32>
    %reshape3A_1222 = vector.shape_cast %get3A_1221 : vector<16xi32> to vector<16x1xi32>
    %gather3A_1223 = vector.shape_cast %reshape3A_1222 : vector<16x1xi32> to vector<16xi32>
    %gather3A_1224 = tpu.dynamic_gather %get3A_8[%gather3A_1223] in [0] : vector<16xf32>, vector<16xi32> -> vector<16xf32>
    %swap3A_1225 = arith.constant 912 : index
    %swap3A_1226 = tpu.vector_load %arg9[%swap3A_1225] {strides = array<i32>} : memref<1024xf32, #tpu.memory_space<vmem>>, vector<16xf32>,
    %swap3A_1227 = vector.shape_cast %swap3A_1226 : vector<16xf32> to vector<16xf32>
    %swap3A_1228 = vector.shape_cast %gather3A_1224 : vector<16xf32> to vector<16xf32>
    tpu.vector_store %arg9[%swap3A_1225], %swap3A_1228 {strides = array<i32>} : memref<1024xf32, #tpu.memory_space<vmem>>, vector<16xf32>,
    %get3A_1229 = arith.constant 928 : index
    %get3A_1230 = tpu.vector_load %arg6[%get3A_1229] {strides = array<i32>} : memref<1024xi32, #tpu.memory_space<vmem>>, vector<16xi32>,
    %get3A_1231 = vector.shape_cast %get3A_1230 : vector<16xi32> to vector<16xi32>
    %reshape3A_1232 = vector.shape_cast %get3A_1231 : vector<16xi32> to vector<16x1xi32>
    %gather3A_1233 = vector.shape_cast %reshape3A_1232 : vector<16x1xi32> to vector<16xi32>
    %gather3A_1234 = tpu.dynamic_gather %get3A_8[%gather3A_1233] in [0] : vector<16xf32>, vector<16xi32> -> vector<16xf32>
    %swap3A_1235 = arith.constant 928 : index
    %swap3A_1236 = tpu.vector_load %arg9[%swap3A_1235] {strides = array<i32>} : memref<1024xf32, #tpu.memory_space<vmem>>, vector<16xf32>,
    %swap3A_1237 = vector.shape_cast %swap3A_1236 : vector<16xf32> to vector<16xf32>
    %swap3A_1238 = vector.shape_cast %gather3A_1234 : vector<16xf32> to vector<16xf32>
    tpu.vector_store %arg9[%swap3A_1235], %swap3A_1238 {strides = array<i32>} : memref<1024xf32, #tpu.memory_space<vmem>>, vector<16xf32>,
    %get3A_1239 = arith.constant 944 : index
    %get3A_1240 = tpu.vector_load %arg6[%get3A_1239] {strides = array<i32>} : memref<1024xi32, #tpu.memory_space<vmem>>, vector<16xi32>,
    %get3A_1241 = vector.shape_cast %get3A_1240 : vector<16xi32> to vector<16xi32>
    %reshape3A_1242 = vector.shape_cast %get3A_1241 : vector<16xi32> to vector<16x1xi32>
    %gather3A_1243 = vector.shape_cast %reshape3A_1242 : vector<16x1xi32> to vector<16xi32>
    %gather3A_1244 = tpu.dynamic_gather %get3A_8[%gather3A_1243] in [0] : vector<16xf32>, vector<16xi32> -> vector<16xf32>
    %swap3A_1245 = arith.constant 944 : index
    %swap3A_1246 = tpu.vector_load %arg9[%swap3A_1245] {strides = array<i32>} : memref<1024xf32, #tpu.memory_space<vmem>>, vector<16xf32>,
    %swap3A_1247 = vector.shape_cast %swap3A_1246 : vector<16xf32> to vector<16xf32>
    %swap3A_1248 = vector.shape_cast %gather3A_1244 : vector<16xf32> to vector<16xf32>
    tpu.vector_store %arg9[%swap3A_1245], %swap3A_1248 {strides = array<i32>} : memref<1024xf32, #tpu.memory_space<vmem>>, vector<16xf32>,
    %get3A_1249 = arith.constant 960 : index
    %get3A_1250 = tpu.vector_load %arg6[%get3A_1249] {strides = array<i32>} : memref<1024xi32, #tpu.memory_space<vmem>>, vector<16xi32>,
    %get3A_1251 = vector.shape_cast %get3A_1250 : vector<16xi32> to vector<16xi32>
    %reshape3A_1252 = vector.shape_cast %get3A_1251 : vector<16xi32> to vector<16x1xi32>
    %gather3A_1253 = vector.shape_cast %reshape3A_1252 : vector<16x1xi32> to vector<16xi32>
    %gather3A_1254 = tpu.dynamic_gather %get3A_8[%gather3A_1253] in [0] : vector<16xf32>, vector<16xi32> -> vector<16xf32>
    %swap3A_1255 = arith.constant 960 : index
    %swap3A_1256 = tpu.vector_load %arg9[%swap3A_1255] {strides = array<i32>} : memref<1024xf32, #tpu.memory_space<vmem>>, vector<16xf32>,
    %swap3A_1257 = vector.shape_cast %swap3A_1256 : vector<16xf32> to vector<16xf32>
    %swap3A_1258 = vector.shape_cast %gather3A_1254 : vector<16xf32> to vector<16xf32>
    tpu.vector_store %arg9[%swap3A_1255], %swap3A_1258 {strides = array<i32>} : memref<1024xf32, #tpu.memory_space<vmem>>, vector<16xf32>,
    %get3A_1259 = arith.constant 976 : index
    %get3A_1260 = tpu.vector_load %arg6[%get3A_1259] {strides = array<i32>} : memref<1024xi32, #tpu.memory_space<vmem>>, vector<16xi32>,
    %get3A_1261 = vector.shape_cast %get3A_1260 : vector<16xi32> to vector<16xi32>
    %reshape3A_1262 = vector.shape_cast %get3A_1261 : vector<16xi32> to vector<16x1xi32>
    %gather3A_1263 = vector.shape_cast %reshape3A_1262 : vector<16x1xi32> to vector<16xi32>
    %gather3A_1264 = tpu.dynamic_gather %get3A_8[%gather3A_1263] in [0] : vector<16xf32>, vector<16xi32> -> vector<16xf32>
    %swap3A_1265 = arith.constant 976 : index
    %swap3A_1266 = tpu.vector_load %arg9[%swap3A_1265] {strides = array<i32>} : memref<1024xf32, #tpu.memory_space<vmem>>, vector<16xf32>,
    %swap3A_1267 = vector.shape_cast %swap3A_1266 : vector<16xf32> to vector<16xf32>
    %swap3A_1268 = vector.shape_cast %gather3A_1264 : vector<16xf32> to vector<16xf32>
    tpu.vector_store %arg9[%swap3A_1265], %swap3A_1268 {strides = array<i32>} : memref<1024xf32, #tpu.memory_space<vmem>>, vector<16xf32>,
    %get3A_1269 = arith.constant 992 : index
    %get3A_1270 = tpu.vector_load %arg6[%get3A_1269] {strides = array<i32>} : memref<1024xi32, #tpu.memory_space<vmem>>, vector<16xi32>,
    %get3A_1271 = vector.shape_cast %get3A_1270 : vector<16xi32> to vector<16xi32>
    %reshape3A_1272 = vector.shape_cast %get3A_1271 : vector<16xi32> to vector<16x1xi32>
    %gather3A_1273 = vector.shape_cast %reshape3A_1272 : vector<16x1xi32> to vector<16xi32>
    %gather3A_1274 = tpu.dynamic_gather %get3A_8[%gather3A_1273] in [0] : vector<16xf32>, vector<16xi32> -> vector<16xf32>
    %swap3A_1275 = arith.constant 992 : index
    %swap3A_1276 = tpu.vector_load %arg9[%swap3A_1275] {strides = array<i32>} : memref<1024xf32, #tpu.memory_space<vmem>>, vector<16xf32>,
    %swap3A_1277 = vector.shape_cast %swap3A_1276 : vector<16xf32> to vector<16xf32>
    %swap3A_1278 = vector.shape_cast %gather3A_1274 : vector<16xf32> to vector<16xf32>
    tpu.vector_store %arg9[%swap3A_1275], %swap3A_1278 {strides = array<i32>} : memref<1024xf32, #tpu.memory_space<vmem>>, vector<16xf32>,
    %get3A_1279 = arith.constant 1008 : index
    %get3A_1280 = tpu.vector_load %arg6[%get3A_1279] {strides = array<i32>} : memref<1024xi32, #tpu.memory_space<vmem>>, vector<16xi32>,
    %get3A_1281 = vector.shape_cast %get3A_1280 : vector<16xi32> to vector<16xi32>
    %reshape3A_1282 = vector.shape_cast %get3A_1281 : vector<16xi32> to vector<16x1xi32>
    %gather3A_1283 = vector.shape_cast %reshape3A_1282 : vector<16x1xi32> to vector<16xi32>
    %gather3A_1284 = tpu.dynamic_gather %get3A_8[%gather3A_1283] in [0] : vector<16xf32>, vector<16xi32> -> vector<16xf32>
    %swap3A_1285 = arith.constant 1008 : index
    %swap3A_1286 = tpu.vector_load %arg9[%swap3A_1285] {strides = array<i32>} : memref<1024xf32, #tpu.memory_space<vmem>>, vector<16xf32>,
    %swap3A_1287 = vector.shape_cast %swap3A_1286 : vector<16xf32> to vector<16xf32>
    %swap3A_1288 = vector.shape_cast %gather3A_1284 : vector<16xf32> to vector<16xf32>
    tpu.vector_store %arg9[%swap3A_1285], %swap3A_1288 {strides = array<i32>} : memref<1024xf32, #tpu.memory_space<vmem>>, vector<16xf32>,
    %dma_start3A_1289 = tpu.memref_slice %arg5[%mul3A_2] : memref<16384xf32, #tpu.memory_space<hbm>> -> memref<1024xf32, #tpu.memory_space<hbm>>
    %dma_start3A_1290 = tpu.memref_slice %arg5[%mul3A_2] : memref<16384xf32, #tpu.memory_space<hbm>> -> memref<1024xf32, #tpu.memory_space<hbm>>
    tpu.enqueue_dma source(%arg9 : memref<1024xf32, #tpu.memory_space<vmem>>) target(%dma_start3A_1290 : memref<1024xf32, #tpu.memory_space<hbm>>) target_semaphore(%arg12 : memref<!tpu.dma_semaphore, #tpu.memory_space<semaphore_mem>>)
    %dma_wait3A_1291 = tpu.memref_slice %arg4[%mul3A_2] : memref<16384xf32, #tpu.memory_space<hbm>> -> memref<1024xf32, #tpu.memory_space<hbm>>
    %dma_wait3A_1292 = tpu.memref_slice %arg4[%mul3A_2] : memref<16384xf32, #tpu.memory_space<hbm>> -> memref<1024xf32, #tpu.memory_space<hbm>>
    tpu.wait_dma2 semaphore(%arg11 : memref<!tpu.dma_semaphore, #tpu.memory_space<semaphore_mem>>) src(%arg8 : memref<1024xf32, #tpu.memory_space<vmem>>) dst(%dma_wait3A_1292 : memref<1024xf32, #tpu.memory_space<hbm>>)
    %dma_wait3A_1293 = tpu.memref_slice %arg5[%mul3A_2] : memref<16384xf32, #tpu.memory_space<hbm>> -> memref<1024xf32, #tpu.memory_space<hbm>>
    %dma_wait3A_1294 = tpu.memref_slice %arg5[%mul3A_2] : memref<16384xf32, #tpu.memory_space<hbm>> -> memref<1024xf32, #tpu.memory_space<hbm>>
    tpu.wait_dma2 semaphore(%arg12 : memref<!tpu.dma_semaphore, #tpu.memory_space<semaphore_mem>>) src(%arg9 : memref<1024xf32, #tpu.memory_space<vmem>>) dst(%dma_wait3A_1294 : memref<1024xf32, #tpu.memory_space<hbm>>)
    return
  }
}

module attributes {stable_mosaic.version = 14 : i64} {
  func.func @_mlp_body(%arg0: memref<12x64xf32, #tpu.memory_space<vmem>>, %arg1: memref<64x32xf32, #tpu.memory_space<vmem>>, %arg2: memref<1x32xf32, #tpu.memory_space<vmem>>, %arg3: memref<1x32xf32, #tpu.memory_space<vmem>>, %arg4: memref<1x1xf32, #tpu.memory_space<vmem>>, %arg5: memref<1x32xf32, #tpu.memory_space<vmem>>) attributes {dimension_semantics = [], scalar_prefetch = 0 : i64, scratch_operands = 0 : i64, tpu.core_type = #tpu.core_type<tc>} {
    %get3A = arith.constant 0 : index
    %get3A_0 = arith.constant 0 : index
    %get3A_1 = vector.load %arg0[%get3A, %get3A_0] : memref<12x64xf32, #tpu.memory_space<vmem>>, vector<12x64xf32>
    %get3A_2 = arith.constant 0 : index
    %get3A_3 = arith.constant 0 : index
    %get3A_4 = vector.load %arg1[%get3A_2, %get3A_3] : memref<64x32xf32, #tpu.memory_space<vmem>>, vector<64x32xf32>
    %dot_general3A = arith.constant dense<0.000000e+00> : vector<12x32xf32>
    %dot_general3A_5 = tpu.matmul %get3A_1, %get3A_4, %dot_general3A {dimension_numbers = #tpu.dot_dimension_numbers<[1], [0], [0], [1], [0, 0, 1, 1], [], []>, transpose_lhs_hint = false} : vector<12x64xf32>, vector<64x32xf32>, vector<12x32xf32> -> vector<12x32xf32>
    %get3A_6 = arith.constant 0 : index
    %get3A_7 = arith.constant 0 : index
    %get3A_8 = vector.load %arg2[%get3A_6, %get3A_7] : memref<1x32xf32, #tpu.memory_space<vmem>>, vector<1x32xf32>
    %add3A = vector.broadcast %get3A_8 : vector<1x32xf32> to vector<12x32xf32>
    %add3A_9 = arith.addf %dot_general3A_5, %add3A : vector<12x32xf32>
    %max3A = arith.constant 0.000000e+00 : f32
    %max3A_10 = vector.broadcast %max3A : f32 to vector<12x32xf32>
    %max3A_11 = arith.maximumf %add3A_9, %max3A_10 : vector<12x32xf32>
    %get3A_12 = arith.constant 0 : index
    %get3A_13 = arith.constant 0 : index
    %get3A_14 = vector.load %arg3[%get3A_12, %get3A_13] : memref<1x32xf32, #tpu.memory_space<vmem>>, vector<1x32xf32>
    %dot_general3A_15 = arith.constant dense<0.000000e+00> : vector<1x12xf32>
    %dot_general3A_16 = tpu.matmul %get3A_14, %max3A_11, %dot_general3A_15 {dimension_numbers = #tpu.dot_dimension_numbers<[1], [1], [0], [0], [0, 0, 1, 0], [], []>, transpose_lhs_hint = false} : vector<1x32xf32>, vector<12x32xf32>, vector<1x12xf32> -> vector<1x12xf32>
    %get3A_17 = arith.constant 0 : index
    %get3A_18 = arith.constant 0 : index
    %get3A_19 = vector.load %arg4[%get3A_17, %get3A_18] : memref<1x1xf32, #tpu.memory_space<vmem>>, vector<1x1xf32>
    %add3A_20 = vector.broadcast %get3A_19 : vector<1x1xf32> to vector<1x12xf32>
    %add3A_21 = arith.addf %dot_general3A_16, %add3A_20 : vector<1x12xf32>
    %jit3A = arith.constant 0 : i32
    %convert_element_type3A = arith.sitofp %jit3A : i32 to f32
    %pad3A = vector.broadcast %convert_element_type3A : f32 to vector<1x4xf32>
    %pad3A_22 = tpu.concatenate %add3A_21, %pad3A in 1 : vector<1x12xf32>, vector<1x4xf32> -> vector<1x16xf32>
    %logistic3A = arith.negf %pad3A_22 : vector<1x16xf32>
    %logistic3A_23 = math.exp %logistic3A : vector<1x16xf32>
    %logistic3A_24 = arith.constant 1.000000e+00 : f32
    %logistic3A_25 = vector.broadcast %logistic3A_24 : f32 to vector<1x16xf32>
    %logistic3A_26 = arith.addf %logistic3A_25, %logistic3A_23 : vector<1x16xf32>
    %logistic3A_27 = arith.divf %logistic3A_25, %logistic3A_26 : vector<1x16xf32>
    %concatenate3A = tpu.concatenate %pad3A_22, %logistic3A_27 in 1 : vector<1x16xf32>, vector<1x16xf32> -> vector<1x32xf32>
    %swap3A = arith.constant 0 : index
    %swap3A_28 = arith.constant 0 : index
    %swap3A_29 = vector.load %arg5[%swap3A, %swap3A_28] : memref<1x32xf32, #tpu.memory_space<vmem>>, vector<1x32xf32>
    tpu.vector_store %arg5[%swap3A, %swap3A_28], %concatenate3A {strides = array<i32>} : memref<1x32xf32, #tpu.memory_space<vmem>>, vector<1x32xf32>,
    return
  }
}

</mosaic_0001>

<sc_bundles>
// kernel: kernel.4.cloned.1.call-start
scs
__scs_entry_jumppad:
0x0: {  	(pc) =	sbr.rel $0x88, $3  }
0x1: {  	(tag) =	ssettag $0x0;
	lr =	simm.s32 $0x1  }
0x2: {  	[smem:$0x3F9B] =	sst lr;
	_ =	strace $0xD0000000  }
0x3: {  	_ = 	snop  }
0x4: {  	_ = 	snop  }
0x5: {  	_ = 	snop  }
0x6: {  	_ = 	snop  }
0x7: {  	_ = 	snop  }
__scs_overlays_trampoline_lowered:
0x8: {  	[smem:$0x3FAA] =	sst s0  }
0x9: {  	[smem:$0x3FAB] =	sst s1  }
0xa: {  	[smem:$0x3FAC] =	sst s2  }
0xb: {  	[smem:$0x3FAD] =	sst s3  }
0xc: {  	[smem:$0x3FAE] =	sst s4  }
0xd: {  	[smem:$0x3FAF] =	sst s5  }
0xe: {  	[smem:$0x3FB0] =	sst s6  }
0xf: {  	[smem:$0x3FB1] =	sst s7  }
0x10: {  	[smem:$0x3FB2] =	sst s8  }
0x11: {  	[smem:$0x3FB3] =	sst s9;
	s0 =	simm.s32 @!p0 $0x0  }
0x12: {  	s1 =	sld [smem:$0x3F99];
	s0 =	simm.s32 @p0 $0x1  }
0x13: {  	[smem:$0x3FB4] =	sst s0;
	s0 =	simm.s32 @!p1 $0x0  }
0x14: {  	s2 =	sld [smem:$0x3F98];
	s0 =	simm.s32 @p1 $0x1  }
0x15: {  	[smem:$0x3FB5] =	sst s0;
	s0 =	simm.s32 @!p2 $0x0  }
0x16: {  	s3 =	sld [smem:$0x3FDB];
	s0 =	simm.s32 @p2 $0x1  }
0x17: {  	s4 =	simm.s32 $0x1BF5;
	[smem:$0x3FB7] =	sst s0  }
0x18: {  	s0 =	sld [smem:$0x3F9A];
	_ =	swait.ge [sflag:s4], $0x0  }
0x19: {  	s7 =	sld [smem:$0x3F9B]  }
0x1a: {  	s8 =	sadd.s32 $0xFFFFE003, lr  }
0x1b: {  	s9 =	sadd.s32 $0xFFFFFEF7, lr;
	s5 =	simm.s32 $0xFFFFFFFF;
	p2 =	slt.u32 s8, $0xFFFFF086  }
0x1c: {  	p1 =	slt.u32 s9, $0xF7A;
	s5 =	simm.s32 @!p2 $0x0  }
0x1d: {  	s5 =	simm.s32 @p1 $0x1;
	p0 =	seq.s32 s7, s2  }
0x1e: {  	s7 =	smul.u32 @!p0 $0xF7A, s2;
	p2 =	seq.s32 @!p0 s5, $0x0  }
0x1f: {  	s9 =	smul.u32 $0xF7A, s1;
	s8 =	simm.s32 @!p0 $0x1BF5;
	p2 =	por !p2, p0  }
0x20: {  	[sflag:s8] =	ssyncset.s32 @!p0 $0xFFFFF086;
	s6 =	sadd.s32 @!p0 s3, s7;
	s7 =	simm.s32 @!p0 $0x108  }
0x21: {  	s3 =	sadd.s32 s3, s9;
	s6 =	sadd.s32 @!p0 $0x88, s6;
	s7 =	simm.s32 @p2 $0x1082  }
0x22: {  	[simem:s7], [sflag:s8] =	dma.local @!p0 [hbm:s6], $0xF7A  }
0x23: {  	s9 =	sor.u32 $0xD0000000, s2;
	s6 =	simm.s32 $0x108;
	_ =	swait.ge @!p0 [sflag:s8], $0x0  }
0x24: {  	s3 =	sadd.s32 $0x88, s3;
	s6 =	simm.s32 @!p1 $0x1082;
	[sflag:s4] =	ssyncset.s32 $0xFFFFF086  }
0x25: {  	[simem:s6], [sflag:s4] =	dma.local [hbm:s3], $0xF7A  }
0x26: {  	[smem:$0x3F9B] =	sst s1;
	(tag) =	ssettag s2;
	_ =	strace s9  }
0x27: {  	s1 =	sld [smem:$0x3FAB]  }
0x28: {  	s2 =	sld [smem:$0x3FAC]  }
0x29: {  	s4 =	sld [smem:$0x3FAE]  }
0x2a: {  	p0 =	seq.s32 s5, $0x0;
	s5 =	sld [smem:$0x3FAF]  }
0x2b: {  	s6 =	sld [smem:$0x3FB0]  }
0x2c: {  	s7 =	sld [smem:$0x3FB1]  }
0x2d: {  	s3 =	simm.s32 $0x108;
	s8 =	sld [smem:$0x3FB2]  }
0x2e: {  	s3 =	simm.s32 @!p0 $0x1082;
	s9 =	sld [smem:$0x3FB3]  }
0x2f: {  	lr =	sadd.s32 s0, s3;
	s0 =	sld [smem:$0x3FAA]  }
0x30: {  	s3 =	sld [smem:$0x3FAD]  }
0x31: {  	[smem:$0x3FB6] =	sst s10  }
0x32: {  	s10 =	sld [smem:$0x3FB4];
	_ =	sdelay $0x3  }
0x33: {  	p0 =	seq.s32 s10, $0x1;
	s10 =	sld [smem:$0x3FB6];
	_ =	sdelay $0x3  }
0x34: {  	[smem:$0x3FB6] =	sst s10  }
0x35: {  	s10 =	sld [smem:$0x3FB5];
	_ =	sdelay $0x3  }
0x36: {  	p1 =	seq.s32 s10, $0x1;
	s10 =	sld [smem:$0x3FB6];
	_ =	sdelay $0x3  }
0x37: {  	[smem:$0x3FB6] =	sst s10  }
0x38: {  	s10 =	sld [smem:$0x3FB7]  }
0x39: {  	_ = 	snop;
	(pc) =	sbr.ind lr, $3  }
0x3a: {  	_ = 	snop  }
0x3b: {  	_ = 	snop  }
0x3c: {  	p2 =	seq.s32 s10, $0x1;
	s10 =	sld [smem:$0x3FB6]  }
0x3d: {  	_ =	shalt  }
0x3e: {  	_ =	shalt  }
0x3f: {  	_ =	shalt  }
0x40: {  	_ =	shalt  }
0x41: {  	_ =	shalt  }
0x42: {  	_ =	shalt  }
0x43: {  	_ =	shalt  }
0x44: {  	_ =	shalt  }
0x45: {  	_ =	shalt  }
0x46: {  	_ =	shalt  }
0x47: {  	_ =	shalt  }
0x48: {  	_ =	shalt  }
0x49: {  	_ =	shalt  }
0x4a: {  	_ =	shalt  }
0x4b: {  	_ =	shalt  }
0x4c: {  	_ =	shalt  }
0x4d: {  	_ =	shalt  }
0x4e: {  	_ =	shalt  }
0x4f: {  	_ =	shalt  }
0x50: {  	_ =	shalt  }
0x51: {  	_ =	shalt  }
0x52: {  	_ =	shalt  }
0x53: {  	_ =	shalt  }
0x54: {  	_ =	shalt  }
0x55: {  	_ =	shalt  }
0x56: {  	_ =	shalt  }
0x57: {  	_ =	shalt  }
0x58: {  	_ =	shalt  }
0x59: {  	_ =	shalt  }
0x5a: {  	_ =	shalt  }
0x5b: {  	_ =	shalt  }
0x5c: {  	_ =	shalt  }
0x5d: {  	_ =	shalt  }
0x5e: {  	_ =	shalt  }
0x5f: {  	_ =	shalt  }
0x60: {  	_ =	shalt  }
0x61: {  	_ =	shalt  }
0x62: {  	_ =	shalt  }
0x63: {  	_ =	shalt  }
0x64: {  	_ =	shalt  }
0x65: {  	_ =	shalt  }
0x66: {  	_ =	shalt  }
0x67: {  	_ =	shalt  }
0x68: {  	_ =	shalt  }
0x69: {  	_ =	shalt  }
0x6a: {  	_ =	shalt  }
0x6b: {  	_ =	shalt  }
0x6c: {  	_ =	shalt  }
0x6d: {  	_ =	shalt  }
0x6e: {  	_ =	shalt  }
0x6f: {  	_ =	shalt  }
0x70: {  	_ =	shalt  }
0x71: {  	_ =	shalt  }
0x72: {  	_ =	shalt  }
0x73: {  	_ =	shalt  }
0x74: {  	_ =	shalt  }
0x75: {  	_ =	shalt  }
0x76: {  	_ =	shalt  }
0x77: {  	_ =	shalt  }
0x78: {  	_ =	shalt  }
0x79: {  	_ =	shalt  }
0x7a: {  	_ =	shalt  }
0x7b: {  	_ =	shalt  }
0x7c: {  	_ =	shalt  }
0x7d: {  	_ =	shalt  }
0x7e: {  	_ =	shalt  }
0x7f: {  	_ =	shalt  }
0x80: {  	_ =	shalt  }
0x81: {  	_ =	shalt  }
0x82: {  	_ =	shalt  }
0x83: {  	_ =	shalt  }
0x84: {  	_ =	shalt  }
0x85: {  	_ =	shalt  }
0x86: {  	_ =	shalt  }
0x87: {  	_ =	shalt  }
.Lfunc_end0:
.L_simem_size_0:
called_computation_lowered:
.L_overlay_start_0:
0x88: {  	s0 =	sld [smem:$0x3FD9]  }
0x89: {  	s1 =	sld [smem:$0x3FFE];
	_ =	sdelay $0x3  }
0x8a: {  	s0 =	sadd.s32 s1, s0  }
0x8b: {  	[smem:$0x3FC2] =	sst s0  }
0x8c: {  	_ = 	snop  }
0x8d: {  	s0 =	sld [smem:$0x3FD0];
	_ =	sdelay $0x2  }
0x8e: {  	s2 =	simm.s32 $0xA;
	s3 =	simm.s32 $0x10;
	s13 =	sld [smem:$0x3FC9]  }
0x8f: {  	[smem:s3], [sflag:s2] =	dma.local [hbm:s0], $0x1  }
0x90: {  	_ =	swait.eq [sflag:s2], $0x1  }
0x91: {  	[sflag:s2] =	ssyncset.done $0x0  }
0x92: {  	s14 =	sld [smem:$0x10];
	[sflag:s2] =	ssyncadd.s32 $0xFFFFFFFF  }
0x93: {  	s15 =	sld [smem:$0x11];
	(tm) =	ssettm $0x1  }
0x94: {  	s16 =	sld [smem:$0x3FFB];
	_ =	sdelay $0x3  }
0x95: {  	_ =	strace s16  }
0x96: {  	s3 =	sld [smem:$0x3FFC];
	_ =	sdelay $0x3  }
0x97: {  	_ =	strace s3  }
0x98: {  	s3 =	sld [smem:$0x3FFD];
	_ =	sdelay $0x3  }
0x99: {  	_ =	strace s3  }
0x9a: {  	_ =	strace $0x8FFFFFFF  }
0x9b: {  	s17 =	sld [smem:$0x3FDB];
	_ =	sdelay $0x1  }
0x9c: {  	s4 =	simm.s32 $_scs_section_size  }
0x9d: {  	s5 =	simm.s32 $_size__tile_overlayer_lowered;
	s6 =	simm.s32 $_tile_overlayer_lowered  }
0x9e: {  	s20 =	simm.s32 $0x1BFF;
	s19 =	sshll.u32 s6, $0x1;
	s3 =	sadd.s32 s4, s17  }
0x9f: {  	s7 =	simm.s32 $0x0;
	s18 =	sshll.u32 s5, $0x1;
	s5 =	sadd.s32 s19, s3  }
0xa0: {  	[timem:s7], [sflag:s20] =	dma.local [hbm:s5], s18  }
0xa1: {  	_ =	swait.ge [sflag:s20], s18  }
0xa2: {  	s4 =	ssub.s32 $0x0, s18;
	[sflag:s20] =	ssyncset.done $0x0  }
0xa3: {  	[sflag:s20] =	ssyncadd.s32 s4;
	_ =	sdelay $0x1  }
0xa4: {  	s21 =	simm.s32 $0x1B8B  }
0xa5: {  	_ =	swait.ge [sflag:s21], $0x1  }
0xa6: {  	[sflag:s21] =	ssyncset.done $0x0  }
0xa7: {  	s23 =	simm.s32 $0x1B8E;
	s22 =	sld [smem:$0x3FFE];
	[sflag:s21] =	ssyncadd.s32 $0xFFFFFFFF  }
0xa8: {  	s24 =	simm.s32 $execute0_lowered;
	[smem:$0x3FD2] =	sst s23  }
0xa9: {  	s5 =	sshll.u32 s24, $0x1;
	_ =	strace $0x80000046;
	[dreg:$0x1] =	wrdreg $0xFFFFFFFF  }
0xaa: {  	s25 =	simm.s32 $_size_execute0_lowered;
	s3 =	sadd.s32 s3, s5;
	[dreg:$0x0] =	wrdreg $0x0  }
0xab: {  	s5 =	sshll.u32 s25, $0x1;
	[dreg:$0x2] =	wrdreg s3  }
0xac: {  	[dreg:$0x3] =	wrdreg s5  }
0xad: {  	[dreg:$0x4] =	wrdreg $0xC0  }
0xae: {  	_ =	task [dreg:s7], $0x5FFFF  }
0xaf: {  	[dreg:$0x1] =	wrdreg $0xFFFFFFFF  }
0xb0: {  	[dreg:$0x0] =	wrdreg $0x60  }
0xb1: {  	[dreg:$0x2] =	wrdreg s13  }
0xb2: {  	[dreg:$0x3] =	wrdreg s22  }
0xb3: {  	[dreg:$0x4] =	wrdreg s14  }
0xb4: {  	[dreg:$0x5] =	wrdreg s15  }
0xb5: {  	[dreg:$0x6] =	wrdreg $0x9  }
0xb6: {  	_ =	task.clear_ibuf [dreg:s7], $0x7FFFF;
	_ =	strace $0x90000046  }
0xb7: {  	s26 =	simm.s32 $0x9;
	_ =	strace $0x80000048  }
0xb8: {  	_ =	swait.ge [sflag:s26], $0x1  }
0xb9: {  	[sflag:s26] =	ssyncadd.s32 $0xFFFFFFFF  }
0xba: {  	_ =	strace $0x90000048  }
0xbb: {  	_ =	sfence  }
0xbc: {  	s28 =	sld [smem:$0x0];
	_ =	sdelay $0x1  }
0xbd: {  	s29 =	srdreg.scid  }
0xbe: {  	s30 =	sshll.u32 s29, $0xD;
	s31 =	sshrl.u32 s29, $0x2  }
0xbf: {  	s1 =	sand.u32 $0x1, s29;
	s2 =	sand.u32 $0x4000, s30;
	s0 =	sadd.s32 s31, s28  }
0xc0: {  	s1 =	sor.u32 s2, s1;
	s0 =	sshll.u32 s0, $0x11  }
0xc1: {  	s0 =	sor.u32 s0, s1  }
0xc2: {  	s0 =	sadd.s32 $0x8F2B, s0  }
0xc3: {  	[sflag:s0] =	ssyncadd.remote.s32 $0x1  }
0xc4: {  	_ =	sfence.sel $0xFFFF  }
0xc5: {  	[dreg:$0x0] =	wrdreg $0xFFFFFFFF;
	(pc) =	sbr.abs _section_cstart, $3  }
0xc6: {  	[dreg:$0x1] =	wrdreg $0xFFFFFFFF  }
0xc7: {  	_ =	task.clear_ibuf [dreg:s7], $0x2FFFF;
	_ =	strace $0x9FFFFFFF  }
0xc8: {  	(tm) =	ssettm $0x7FFFFFFF  }
0xc9: {  	_ =	shalt  }
tec
execute0_lowered:
.L_overlay_start_1:
0x0: {  	(tag) =	ssettag $0x1  }
0x1: {  	s6 =	rddreg [dreg:$0x0]  }
0x2: {  	s7 =	rddreg [dreg:$0x1]  }
0x3: {  	s5 =	rddreg [dreg:$0x2]  }
0x4: {  	s3 =	rddreg [dreg:$0x3];
	s2 =	simm.s32 $0x0;
	s1 =	stileid.u32  }
0x5: {  	[smem:$0x7FF] =	sst s2;
	s4 =	sshll.u32 s1, $0x7  }
0x6: {  	s0 =	rddreg [dreg:$0x4];
	_ =	strace $0x80000047;
	s6 =	sadd.s32 s6, s4  }
0x7: {  	[tilespmem:s2], [sflag:$0x1] =	stream.linear.gather [hbm4b:s6+s2], $0x400, $0x38;
	[tilespmem:$0xC80] =	vst v63  }
0x8: {  	s24 =	simm.s32 $0x400;
	s25 =	simm.s32 $0x4;
	s23 =	sadd.s32 $0xE00, s7  }
0x9: {  	[tilespmem:s24], [sflag:$0x4] =	stream.linear.gather [hbm4b:s23+s2], $0x80, $0x38;
	[tilespmem:$0xC80] =	vst v63  }
0xa: {  	_ =	swait.ge [sflag:s25], $0x80  }
0xb: {  	[sflag:s25] =	ssyncset.done $0x0  }
0xc: {  	[sflag:s25] =	ssyncadd.s32 $0xFFFFFF80  }
0xd: {  	s26 =	simm.s32 $0x1;
	v1 =	vld [tilespmem:$0x400]  }
0xe: {  	v0 =	vld [tilespmem:$0x410];
	_ =	swait.ge [sflag:s26], $0x400  }
0xf: {  	[sflag:s26] =	ssyncset.done $0x0  }
0x10: {  	[sflag:s26] =	ssyncadd.s32 $0xFFFFFC00  }
0x11: {  	v2 =	vld [tilespmem:$0x0]  }
0x12: {  	v3 =	vld [tilespmem:$0x10]  }
0x13: {  	v4 =	vld [tilespmem:$0x20]  }
0x14: {  	v5 =	vld [tilespmem:$0x30]  }
0x15: {  	v6 =	vld [tilespmem:$0x40]  }
0x16: {  	v7 =	vld [tilespmem:$0x50];
	v2 =	vperm.xlane v1, v2  }
0x17: {  	v8 =	vld [tilespmem:$0x60];
	v3 =	vperm.xlane v1, v3  }
0x18: {  	v37 =	vld [tilespmem:$0x70];
	v36 =	vperm.xlane v1, v4;
	[tilespmem:$0x480] =	vst v2  }
0x19: {  	v39 =	vld [tilespmem:$0x80];
	v38 =	vperm.xlane v1, v5;
	[tilespmem:$0x490] =	vst v3  }
0x1a: {  	v41 =	vld [tilespmem:$0x90];
	v40 =	vperm.xlane v1, v6;
	[tilespmem:$0x4A0] =	vst v36  }
0x1b: {  	v43 =	vld [tilespmem:$0xA0];
	v42 =	vperm.xlane v1, v7;
	[tilespmem:$0x4B0] =	vst v38  }
0x1c: {  	v45 =	vld [tilespmem:$0xB0];
	v44 =	vperm.xlane v1, v8;
	[tilespmem:$0x4C0] =	vst v40  }
0x1d: {  	v47 =	vld [tilespmem:$0xC0];
	v46 =	vperm.xlane v1, v37;
	[tilespmem:$0x4D0] =	vst v42  }
0x1e: {  	v49 =	vld [tilespmem:$0xD0];
	v48 =	vperm.xlane v1, v39;
	[tilespmem:$0x4E0] =	vst v44  }
0x1f: {  	v51 =	vld [tilespmem:$0xE0];
	v50 =	vperm.xlane v1, v41;
	[tilespmem:$0x4F0] =	vst v46  }
0x20: {  	v53 =	vld [tilespmem:$0xF0];
	v52 =	vperm.xlane v1, v43;
	[tilespmem:$0x500] =	vst v48  }
0x21: {  	v55 =	vld [tilespmem:$0x100];
	v54 =	vperm.xlane v1, v45;
	[tilespmem:$0x510] =	vst v50  }
0x22: {  	v57 =	vld [tilespmem:$0x110];
	v56 =	vperm.xlane v1, v47;
	[tilespmem:$0x520] =	vst v52  }
0x23: {  	v59 =	vld [tilespmem:$0x120];
	v58 =	vperm.xlane v1, v49;
	[tilespmem:$0x530] =	vst v54  }
0x24: {  	v61 =	vld [tilespmem:$0x130];
	v60 =	vperm.xlane v1, v51;
	[tilespmem:$0x540] =	vst v56  }
0x25: {  	v63 =	vld [tilespmem:$0x140];
	v62 =	vperm.xlane v1, v53;
	[tilespmem:$0x550] =	vst v58  }
0x26: {  	v13 =	vld [tilespmem:$0x150];
	v12 =	vperm.xlane v1, v55;
	[tilespmem:$0x560] =	vst v60  }
0x27: {  	v15 =	vld [tilespmem:$0x160];
	v14 =	vperm.xlane v1, v57;
	[tilespmem:$0x570] =	vst v62  }
0x28: {  	v17 =	vld [tilespmem:$0x170];
	v16 =	vperm.xlane v1, v59;
	[tilespmem:$0x580] =	vst v12  }
0x29: {  	v19 =	vld [tilespmem:$0x180];
	v18 =	vperm.xlane v1, v61;
	[tilespmem:$0x590] =	vst v14  }
0x2a: {  	v21 =	vld [tilespmem:$0x190];
	v20 =	vperm.xlane v1, v63;
	[tilespmem:$0x5A0] =	vst v16  }
0x2b: {  	v23 =	vld [tilespmem:$0x1A0];
	v22 =	vperm.xlane v1, v13;
	[tilespmem:$0x5B0] =	vst v18  }
0x2c: {  	v25 =	vld [tilespmem:$0x1B0];
	v24 =	vperm.xlane v1, v15;
	[tilespmem:$0x5C0] =	vst v20  }
0x2d: {  	v27 =	vld [tilespmem:$0x1C0];
	v26 =	vperm.xlane v1, v17;
	[tilespmem:$0x5D0] =	vst v22  }
0x2e: {  	v29 =	vld [tilespmem:$0x1D0];
	v28 =	vperm.xlane v1, v19;
	[tilespmem:$0x5E0] =	vst v24  }
0x2f: {  	v31 =	vld [tilespmem:$0x1E0];
	v30 =	vperm.xlane v1, v21;
	[tilespmem:$0x5F0] =	vst v26  }
0x30: {  	v33 =	vld [tilespmem:$0x1F0];
	v32 =	vperm.xlane v1, v23;
	[tilespmem:$0x600] =	vst v28  }
0x31: {  	v35 =	vld [tilespmem:$0x200];
	v34 =	vperm.xlane v1, v25;
	[tilespmem:$0x610] =	vst v30  }
0x32: {  	v37 =	vld [tilespmem:$0x210];
	[tilespmem:$0x620] =	vst v32;
	v36 =	vperm.xlane v1, v27  }
0x33: {  	v39 =	vld [tilespmem:$0x220];
	[tilespmem:$0x630] =	vst v34;
	v38 =	vperm.xlane v1, v29  }
0x34: {  	v41 =	vld [tilespmem:$0x230];
	v40 =	vperm.xlane v1, v31;
	[tilespmem:$0x640] =	vst v36  }
0x35: {  	v43 =	vld [tilespmem:$0x240];
	v42 =	vperm.xlane v1, v33;
	[tilespmem:$0x650] =	vst v38  }
0x36: {  	v45 =	vld [tilespmem:$0x250];
	v44 =	vperm.xlane v1, v35;
	[tilespmem:$0x660] =	vst v40  }
0x37: {  	v47 =	vld [tilespmem:$0x260];
	[tilespmem:$0x670] =	vst v42;
	v46 =	vperm.xlane v1, v37  }
0x38: {  	v49 =	vld [tilespmem:$0x270];
	[tilespmem:$0x680] =	vst v44;
	v48 =	vperm.xlane v1, v39  }
0x39: {  	v51 =	vld [tilespmem:$0x280];
	v50 =	vperm.xlane v1, v41;
	[tilespmem:$0x690] =	vst v46  }
0x3a: {  	v53 =	vld [tilespmem:$0x290];
	v52 =	vperm.xlane v1, v43;
	[tilespmem:$0x6A0] =	vst v48  }
0x3b: {  	v55 =	vld [tilespmem:$0x2A0];
	v54 =	vperm.xlane v1, v45;
	[tilespmem:$0x6B0] =	vst v50  }
0x3c: {  	v57 =	vld [tilespmem:$0x2B0];
	v56 =	vperm.xlane v1, v47;
	[tilespmem:$0x6C0] =	vst v52  }
0x3d: {  	v59 =	vld [tilespmem:$0x2C0];
	v58 =	vperm.xlane v1, v49;
	[tilespmem:$0x6D0] =	vst v54  }
0x3e: {  	v61 =	vld [tilespmem:$0x2D0];
	v60 =	vperm.xlane v1, v51;
	[tilespmem:$0x6E0] =	vst v56  }
0x3f: {  	v63 =	vld [tilespmem:$0x2E0];
	v62 =	vperm.xlane v1, v53;
	[tilespmem:$0x6F0] =	vst v58  }
0x40: {  	v13 =	vld [tilespmem:$0x2F0];
	v12 =	vperm.xlane v1, v55;
	[tilespmem:$0x700] =	vst v60  }
0x41: {  	v15 =	vld [tilespmem:$0x300];
	v14 =	vperm.xlane v1, v57;
	[tilespmem:$0x710] =	vst v62  }
0x42: {  	v17 =	vld [tilespmem:$0x310];
	v16 =	vperm.xlane v1, v59;
	[tilespmem:$0x720] =	vst v12  }
0x43: {  	v19 =	vld [tilespmem:$0x320];
	v18 =	vperm.xlane v1, v61;
	[tilespmem:$0x730] =	vst v14  }
0x44: {  	v21 =	vld [tilespmem:$0x330];
	v20 =	vperm.xlane v1, v63;
	[tilespmem:$0x740] =	vst v16  }
0x45: {  	v23 =	vld [tilespmem:$0x340];
	v22 =	vperm.xlane v1, v13;
	[tilespmem:$0x750] =	vst v18  }
0x46: {  	v25 =	vld [tilespmem:$0x350];
	v24 =	vperm.xlane v1, v15;
	[tilespmem:$0x760] =	vst v20  }
0x47: {  	v27 =	vld [tilespmem:$0x360];
	v26 =	vperm.xlane v1, v17;
	[tilespmem:$0x770] =	vst v22  }
0x48: {  	v29 =	vld [tilespmem:$0x370];
	v28 =	vperm.xlane v1, v19;
	[tilespmem:$0x780] =	vst v24  }
0x49: {  	v31 =	vld [tilespmem:$0x380];
	v30 =	vperm.xlane v1, v21;
	[tilespmem:$0x790] =	vst v26  }
0x4a: {  	v33 =	vld [tilespmem:$0x390];
	v32 =	vperm.xlane v1, v23;
	[tilespmem:$0x7A0] =	vst v28  }
0x4b: {  	v35 =	vld [tilespmem:$0x3A0];
	v34 =	vperm.xlane v1, v25;
	[tilespmem:$0x7B0] =	vst v30  }
0x4c: {  	v37 =	vld [tilespmem:$0x3B0];
	[tilespmem:$0x7C0] =	vst v32;
	v36 =	vperm.xlane v1, v27  }
0x4d: {  	v39 =	vld [tilespmem:$0x3C0];
	[tilespmem:$0x7D0] =	vst v34;
	v38 =	vperm.xlane v1, v29  }
0x4e: {  	v41 =	vld [tilespmem:$0x3D0];
	v40 =	vperm.xlane v1, v31;
	[tilespmem:$0x7E0] =	vst v36  }
0x4f: {  	v43 =	vld [tilespmem:$0x3E0];
	v42 =	vperm.xlane v1, v33;
	[tilespmem:$0x7F0] =	vst v38  }
0x50: {  	v45 =	vld [tilespmem:$0x3F0];
	v44 =	vperm.xlane v1, v35;
	[tilespmem:$0x800] =	vst v40  }
0x51: {  	[tilespmem:$0x810] =	vst v42;
	v46 =	vperm.xlane v1, v37  }
0x52: {  	[tilespmem:$0x820] =	vst v44;
	v47 =	vperm.xlane v1, v39  }
0x53: {  	v48 =	vperm.xlane v1, v41;
	[tilespmem:$0x830] =	vst v46  }
0x54: {  	v49 =	vperm.xlane v1, v43;
	[tilespmem:$0x840] =	vst v47  }
0x55: {  	v1 =	vperm.xlane v1, v45;
	[tilespmem:$0x850] =	vst v48  }
0x56: {  	[tilespmem:$0x860] =	vst v49  }
0x57: {  	s28 =	simm.s32 $0x480;
	s5 =	sadd.s32 s5, s4;
	[tilespmem:$0x870] =	vst v1  }
0x58: {  	[hbm4b:s5+s2] =	stream.linear.scatter [tilespmem:s28], [sflag:$0x2], $0x400, $0x38;
	[tilespmem:$0xC80] =	vst v63  }
0x59: {  	v50 =	vld [tilespmem:$0x0]  }
0x5a: {  	v51 =	vld [tilespmem:$0x10]  }
0x5b: {  	v52 =	vld [tilespmem:$0x20]  }
0x5c: {  	v53 =	vld [tilespmem:$0x30]  }
0x5d: {  	v54 =	vld [tilespmem:$0x40]  }
0x5e: {  	v55 =	vld [tilespmem:$0x50];
	v1 =	vperm.xlane v0, v50  }
0x5f: {  	v56 =	vld [tilespmem:$0x60];
	v2 =	vperm.xlane v0, v51  }
0x60: {  	v58 =	vld [tilespmem:$0x70];
	v57 =	vperm.xlane v0, v52;
	[tilespmem:$0x880] =	vst v1  }
0x61: {  	v60 =	vld [tilespmem:$0x80];
	v59 =	vperm.xlane v0, v53;
	[tilespmem:$0x890] =	vst v2  }
0x62: {  	v62 =	vld [tilespmem:$0x90];
	v61 =	vperm.xlane v0, v54;
	[tilespmem:$0x8A0] =	vst v57  }
0x63: {  	v9 =	vld [tilespmem:$0xA0];
	v63 =	vperm.xlane v0, v55;
	[tilespmem:$0x8B0] =	vst v59  }
0x64: {  	v11 =	vld [tilespmem:$0xB0];
	v10 =	vperm.xlane v0, v56;
	[tilespmem:$0x8C0] =	vst v61  }
0x65: {  	v13 =	vld [tilespmem:$0xC0];
	v12 =	vperm.xlane v0, v58;
	[tilespmem:$0x8D0] =	vst v63  }
0x66: {  	v15 =	vld [tilespmem:$0xD0];
	v14 =	vperm.xlane v0, v60;
	[tilespmem:$0x8E0] =	vst v10  }
0x67: {  	v17 =	vld [tilespmem:$0xE0];
	v16 =	vperm.xlane v0, v62;
	[tilespmem:$0x8F0] =	vst v12  }
0x68: {  	v19 =	vld [tilespmem:$0xF0];
	v18 =	vperm.xlane v0, v9;
	[tilespmem:$0x900] =	vst v14  }
0x69: {  	v21 =	vld [tilespmem:$0x100];
	v20 =	vperm.xlane v0, v11;
	[tilespmem:$0x910] =	vst v16  }
0x6a: {  	v23 =	vld [tilespmem:$0x110];
	v22 =	vperm.xlane v0, v13;
	[tilespmem:$0x920] =	vst v18  }
0x6b: {  	v25 =	vld [tilespmem:$0x120];
	v24 =	vperm.xlane v0, v15;
	[tilespmem:$0x930] =	vst v20  }
0x6c: {  	v27 =	vld [tilespmem:$0x130];
	v26 =	vperm.xlane v0, v17;
	[tilespmem:$0x940] =	vst v22  }
0x6d: {  	v29 =	vld [tilespmem:$0x140];
	v28 =	vperm.xlane v0, v19;
	[tilespmem:$0x950] =	vst v24  }
0x6e: {  	v31 =	vld [tilespmem:$0x150];
	v30 =	vperm.xlane v0, v21;
	[tilespmem:$0x960] =	vst v26  }
0x6f: {  	v33 =	vld [tilespmem:$0x160];
	v32 =	vperm.xlane v0, v23;
	[tilespmem:$0x970] =	vst v28  }
0x70: {  	v35 =	vld [tilespmem:$0x170];
	v34 =	vperm.xlane v0, v25;
	[tilespmem:$0x980] =	vst v30  }
0x71: {  	v37 =	vld [tilespmem:$0x180];
	v36 =	vperm.xlane v0, v27;
	[tilespmem:$0x990] =	vst v32  }
0x72: {  	v39 =	vld [tilespmem:$0x190];
	v38 =	vperm.xlane v0, v29;
	[tilespmem:$0x9A0] =	vst v34  }
0x73: {  	v41 =	vld [tilespmem:$0x1A0];
	v40 =	vperm.xlane v0, v31;
	[tilespmem:$0x9B0] =	vst v36  }
0x74: {  	v43 =	vld [tilespmem:$0x1B0];
	v42 =	vperm.xlane v0, v33;
	[tilespmem:$0x9C0] =	vst v38  }
0x75: {  	v45 =	vld [tilespmem:$0x1C0];
	v44 =	vperm.xlane v0, v35;
	[tilespmem:$0x9D0] =	vst v40  }
0x76: {  	v47 =	vld [tilespmem:$0x1D0];
	v46 =	vperm.xlane v0, v37;
	[tilespmem:$0x9E0] =	vst v42  }
0x77: {  	v49 =	vld [tilespmem:$0x1E0];
	v48 =	vperm.xlane v0, v39;
	[tilespmem:$0x9F0] =	vst v44  }
0x78: {  	v50 =	vperm.xlane v0, v41;
	v51 =	vld [tilespmem:$0x1F0];
	[tilespmem:$0xA00] =	vst v46  }
0x79: {  	v52 =	vperm.xlane v0, v43;
	v53 =	vld [tilespmem:$0x200];
	[tilespmem:$0xA10] =	vst v48  }
0x7a: {  	v54 =	vperm.xlane v0, v45;
	v55 =	vld [tilespmem:$0x210];
	[tilespmem:$0xA20] =	vst v50  }
0x7b: {  	v56 =	vperm.xlane v0, v47;
	v9 =	vld [tilespmem:$0x260];
	[tilespmem:$0xA30] =	vst v52  }
0x7c: {  	v58 =	vperm.xlane v0, v49;
	v11 =	vld [tilespmem:$0x270];
	[tilespmem:$0xA40] =	vst v54  }
0x7d: {  	v13 =	vld [tilespmem:$0x280];
	[tilespmem:$0xA50] =	vst v56;
	v60 =	vperm.xlane v0, v51  }
0x7e: {  	v15 =	vld [tilespmem:$0x290];
	[tilespmem:$0xA60] =	vst v58;
	v62 =	vperm.xlane v0, v53  }
0x7f: {  	v17 =	vld [tilespmem:$0x2A0];
	v8 =	vperm.xlane v0, v55;
	[tilespmem:$0xA70] =	vst v60  }
0x80: {  	v19 =	vld [tilespmem:$0x2B0];
	v18 =	vperm.xlane v0, v9;
	[tilespmem:$0xA80] =	vst v62  }
0x81: {  	v21 =	vld [tilespmem:$0x2C0];
	v20 =	vperm.xlane v0, v11;
	[tilespmem:$0xA90] =	vst v8  }
0x82: {  	v23 =	vld [tilespmem:$0x2D0];
	v22 =	vperm.xlane v0, v13;
	[tilespmem:$0xAE0] =	vst v18  }
0x83: {  	v25 =	vld [tilespmem:$0x2E0];
	v24 =	vperm.xlane v0, v15;
	[tilespmem:$0xAF0] =	vst v20  }
0x84: {  	v27 =	vld [tilespmem:$0x2F0];
	v26 =	vperm.xlane v0, v17;
	[tilespmem:$0xB00] =	vst v22  }
0x85: {  	v29 =	vld [tilespmem:$0x300];
	v28 =	vperm.xlane v0, v19;
	[tilespmem:$0xB10] =	vst v24  }
0x86: {  	v31 =	vld [tilespmem:$0x310];
	v30 =	vperm.xlane v0, v21;
	[tilespmem:$0xB20] =	vst v26  }
0x87: {  	v33 =	vld [tilespmem:$0x320];
	v32 =	vperm.xlane v0, v23;
	[tilespmem:$0xB30] =	vst v28  }
0x88: {  	v35 =	vld [tilespmem:$0x330];
	v34 =	vperm.xlane v0, v25;
	[tilespmem:$0xB40] =	vst v30  }
0x89: {  	v37 =	vld [tilespmem:$0x340];
	v36 =	vperm.xlane v0, v27;
	[tilespmem:$0xB50] =	vst v32  }
0x8a: {  	v39 =	vld [tilespmem:$0x350];
	v38 =	vperm.xlane v0, v29;
	[tilespmem:$0xB60] =	vst v34  }
0x8b: {  	v41 =	vld [tilespmem:$0x360];
	v40 =	vperm.xlane v0, v31;
	[tilespmem:$0xB70] =	vst v36  }
0x8c: {  	v43 =	vld [tilespmem:$0x370];
	v42 =	vperm.xlane v0, v33;
	[tilespmem:$0xB80] =	vst v38  }
0x8d: {  	v45 =	vld [tilespmem:$0x380];
	v44 =	vperm.xlane v0, v35;
	[tilespmem:$0xB90] =	vst v40  }
0x8e: {  	v47 =	vld [tilespmem:$0x390];
	v46 =	vperm.xlane v0, v37;
	[tilespmem:$0xBA0] =	vst v42  }
0x8f: {  	v49 =	vld [tilespmem:$0x3A0];
	v48 =	vperm.xlane v0, v39;
	[tilespmem:$0xBB0] =	vst v44  }
0x90: {  	v57 =	vld [tilespmem:$0x220];
	v50 =	vperm.xlane v0, v41;
	[tilespmem:$0xBC0] =	vst v46  }
0x91: {  	v59 =	vld [tilespmem:$0x230];
	v52 =	vperm.xlane v0, v43;
	[tilespmem:$0xBD0] =	vst v48  }
0x92: {  	v61 =	vld [tilespmem:$0x240];
	v54 =	vperm.xlane v0, v45;
	[tilespmem:$0xBE0] =	vst v50  }
0x93: {  	v63 =	vld [tilespmem:$0x250];
	v56 =	vperm.xlane v0, v47;
	[tilespmem:$0xBF0] =	vst v52  }
0x94: {  	v51 =	vld [tilespmem:$0x3B0];
	v58 =	vperm.xlane v0, v49;
	[tilespmem:$0xC00] =	vst v54  }
0x95: {  	v53 =	vld [tilespmem:$0x3C0];
	v10 =	vperm.xlane v0, v57;
	[tilespmem:$0xC10] =	vst v56  }
0x96: {  	v55 =	vld [tilespmem:$0x3D0];
	v12 =	vperm.xlane v0, v59;
	[tilespmem:$0xC20] =	vst v58  }
0x97: {  	v14 =	vperm.xlane v0, v61;
	v57 =	vld [tilespmem:$0x3E0];
	[tilespmem:$0xAA0] =	vst v10  }
0x98: {  	v16 =	vperm.xlane v0, v63;
	v59 =	vld [tilespmem:$0x3F0];
	[tilespmem:$0xAB0] =	vst v12  }
0x99: {  	[tilespmem:$0xAC0] =	vst v14;
	v60 =	vperm.xlane v0, v51  }
0x9a: {  	[tilespmem:$0xAD0] =	vst v16;
	v61 =	vperm.xlane v0, v53  }
0x9b: {  	v62 =	vperm.xlane v0, v55;
	[tilespmem:$0xC30] =	vst v60  }
0x9c: {  	[tilespmem:$0xC40] =	vst v61;
	v63 =	vperm.xlane v0, v57  }
0x9d: {  	[tilespmem:$0xC50] =	vst v62;
	v0 =	vperm.xlane v0, v59  }
0x9e: {  	[tilespmem:$0xC60] =	vst v63  }
0x9f: {  	s29 =	simm.s32 $0x880;
	s30 =	simm.s32 $0x2;
	s3 =	sadd.s32 s3, s4;
	[tilespmem:$0xC70] =	vst v0  }
0xa0: {  	[hbm4b:s3+s2] =	stream.linear.scatter [tilespmem:s29], [sflag:$0x3], $0x400, $0x38;
	[tilespmem:$0xC80] =	vst v63  }
0xa1: {  	_ =	swait.ge [sflag:s30], $0x400  }
0xa2: {  	[sflag:s30] =	ssyncset.done $0x0  }
0xa3: {  	s31 =	simm.s32 $0x3;
	[sflag:s30] =	ssyncadd.s32 $0xFFFFFC00  }
0xa4: {  	_ =	swait.ge [sflag:s31], $0x400  }
0xa5: {  	[sflag:s31] =	ssyncset.done $0x0  }
0xa6: {  	[sflag:s31] =	ssyncadd.s32 $0xFFFFFC00  }
0xa7: {  	_ =	sfence.sel $0x180000  }
0xa8: {  	[bflag:$0x0] =	sbarrier.arrive $0xFFFF  }
0xa9: {  	p0 =	sne.s32 s1, $0x0;
	_ =	strace $0x90000047  }
0xaa: {  	s0 =	sadd.s32 @!p0 $0x100000, s0;
	[bflag:$0x2] =	sbarrier.arrive $0xFFFF  }
0xab: {  	[sflag:s0] =	ssyncadd.tile.s32 @!p0 $0x1;
	_ =	shalt  }
.Lfunc_end2:
_tile_overlayer_lowered:
.L_overlay_start_2:
0xac: {  	(tag) =	ssettag $0x2  }
0xad: {  	s0 =	rddreg [dreg:$0x0];
	s2 =	stileid.u32  }
0xae: {  	s1 =	rddreg [dreg:$0x1];
	p0 =	sne.s32 s2, $0x0  }
0xaf: {  	s3 =	rddreg [dreg:$0x2];
	[bflag:$0x3] =	sbarrier.arrive $0xFFFF;
	s2 =	simm.s32 @!p0 $0x1C04  }
0xb0: {  	[timem:s3], [sflag:s2] =	dma.local @!p0 [hbm:s0], s1  }
0xb1: {  	s0 =	simm.s32 @!p0 $0x4  }
0xb2: {  	_ =	swait.ge @!p0 [sflag:s0], s1  }
0xb3: {  	s1 =	ssub.s32 @!p0 $0x0, s1;
	[sflag:s0] =	ssyncset.done @!p0 $0x0  }
0xb4: {  	[sflag:s0] =	ssyncadd.s32 @!p0 s1  }
0xb5: {  	[bflag:$0x3] =	sbarrier.arrive $0xFFFF  }
0xb6: {  	_ =	shalt  }

</sc_bundles>
